<compile_context>
chip_gen: v7x
topology: tpu7x:2x2x1
jax: 0.10.2.dev20260603
libtpu: 0.0.44.dev20260713+nightly
codegen_flags: <defaults>
</compile_context>

<pallas_src>
import functools

import jax
import jax.numpy as jnp
from jax import lax
from jax.experimental import pallas as pl
from jax.experimental.pallas import tpu as pltpu
from jax.experimental.pallas import tpu_sc as plsc

_IDX = (2, 5, 7, 11, 13, 17, 19, 23, 29, 31, 37, 41, 43, 47, 53, 59, 61,
        67, 71, 73, 79, 83, 89, 91, 95, 97)

_B, _N, _D = 4096, 100, 64
_K = len(_IDX)
_NR = 8
_RS = _D // _NR


def _body(x_hbm, out_hbm, buf, g0, g1, w0, w1):
    wid = lax.axis_index("s") * 2 + lax.axis_index("c")

    @pl.when(wid < _K)
    def _():
        src = jnp.int32(0)
        for kk in range(_K):
            src = jnp.where(wid == kk, jnp.int32(_IDX[kk]), src)
        gs = (g0, g1)
        ws = (w0, w1)

        def rd(i, k):
            return pltpu.make_async_copy(
                x_hbm.at[src, pl.ds(i * _RS, _RS), :], buf.at[k], gs[k])

        def wr(i, k):
            return pltpu.make_async_copy(
                buf.at[k], out_hbm.at[wid, pl.ds(i * _RS, _RS), :], ws[k])

        rd(0, 0).start()
        for i in range(1, _NR):
            k = i % 2
            if i >= 2:
                wr(i - 2, k).wait()
            rd(i, k).start()
            rd(i - 1, 1 - k).wait()
            wr(i - 1, 1 - k).start()
        rd(_NR - 1, 1).wait()
        wr(_NR - 1, 1).start()
        wr(_NR - 2, 0).wait()
        wr(_NR - 1, 1).wait()


def kernel(inputs):
    x_t = jnp.transpose(inputs, (1, 2, 0))
    k = functools.partial(
        pl.kernel,
        mesh=plsc.VectorSubcoreMesh(core_axis_name="c", subcore_axis_name="s"),
        compiler_params=pltpu.CompilerParams(use_tc_tiling_on_sc=True),
        out_type=jax.ShapeDtypeStruct((_K, _D, _B), jnp.float32),
        scratch_types=[
            pltpu.VMEM((2, _RS, _B), jnp.float32),
        ] + [pltpu.SemaphoreType.DMA] * 4,
    )(_body)
    out_t = k(x_t)
    return jnp.transpose(out_t, (2, 0, 1))

# --- scband reference (transcript-rebuilt; emitter-appended) ---
"""Pipeline reference for scband-gather-layer-52304111730926 (READ-ONLY COPY).

The authoritative reference and input builder live on the scoring server;
editing this copy changes nothing except your own understanding.
"""

import jax, jax.numpy as jnp
import numpy as np

# Fixed indices and axis from init_kwargs (constants of the layer)
IDX = jnp.array([2, 5, 7, 11, 13, 17, 19, 23, 29, 31, 37, 41, 43, 47, 53, 59, 61, 67, 71, 73, 79, 83, 89, 91, 95, 97], dtype=jnp.int32)
AXIS = 1


def setup_inputs(seed: int = 0) -> dict:
    key = jax.random.key(seed)
    inputs = jax.random.normal(key, (4096, 100, 64), dtype=jnp.float32)
    return {"inputs": inputs}


def reference(inputs):
    # Faithful translation of tf.gather(inputs, indices=self.indices, axis=self.axis)
    return jnp.take(inputs, IDX, axis=AXIS)

if __name__ == "__main__":
    import jax
    _d = setup_inputs()
    print(jax.jit(kernel)(*tuple(_d.values())))

</pallas_src>

<mosaic_0001>
#map = affine_map<(d0, d1) -> (0, 0, 0)>
module attributes {stable_mosaic.version = 14 : i64} {
  func.func @_body(%arg0: i32, %arg1: i32, %arg2: memref<100x64x4096xf32, #tpu.memory_space<hbm>>, %arg3: memref<26x64x4096xf32, #tpu.memory_space<hbm>>, %arg4: memref<2x8x4096xf32, #tpu.memory_space<vmem>>, %arg5: memref<!tpu.dma_semaphore, #tpu.memory_space<semaphore_mem>>, %arg6: memref<!tpu.dma_semaphore, #tpu.memory_space<semaphore_mem>>, %arg7: memref<!tpu.dma_semaphore, #tpu.memory_space<semaphore_mem>>, %arg8: memref<!tpu.dma_semaphore, #tpu.memory_space<semaphore_mem>>) attributes {dimension_semantics = [#tpu.dimension_semantics<core_parallel>, #tpu.dimension_semantics<subcore_parallel>], iteration_bounds = array<i64: 2, 16>, scalar_prefetch = 0 : i64, scratch_operands = 5 : i64, tpu.core_type = #tpu.core_type<sc_vector_subcore>, window_params = [{transform_indices = #map}, {transform_indices = #map}]} {
    %mul3A = arith.constant 2 : i32
    %mul3A_0 = arith.muli %arg1, %mul3A : i32
    %add3A = arith.addi %mul3A_0, %arg0 : i32
    %lt3A = arith.constant 26 : i32
    %lt3A_1 = arith.cmpi slt, %add3A, %lt3A : i32
    %convert_element_type3A = arith.extui %lt3A_1 : i1 to i32
    %cond3A = arith.constant 0 : i32
    %cond3A_2 = arith.cmpi ne, %convert_element_type3A, %cond3A : i32
    scf.if %cond3A_2 {
      %eq3A = arith.constant 0 : i32
      %eq3A_3 = arith.cmpi eq, %add3A, %eq3A : i32
      %jit3A = arith.constant 2 : i32
      %jit3A_4 = arith.constant 0 : i32
      %select_n3A = arith.select %eq3A_3, %jit3A, %jit3A_4 : i32
      %eq3A_5 = arith.constant 1 : i32
      %eq3A_6 = arith.cmpi eq, %add3A, %eq3A_5 : i32
      %jit3A_7 = arith.constant 5 : i32
      %select_n3A_8 = arith.select %eq3A_6, %jit3A_7, %select_n3A : i32
      %eq3A_9 = arith.constant 2 : i32
      %eq3A_10 = arith.cmpi eq, %add3A, %eq3A_9 : i32
      %jit3A_11 = arith.constant 7 : i32
      %select_n3A_12 = arith.select %eq3A_10, %jit3A_11, %select_n3A_8 : i32
      %eq3A_13 = arith.constant 3 : i32
      %eq3A_14 = arith.cmpi eq, %add3A, %eq3A_13 : i32
      %jit3A_15 = arith.constant 11 : i32
      %select_n3A_16 = arith.select %eq3A_14, %jit3A_15, %select_n3A_12 : i32
      %eq3A_17 = arith.constant 4 : i32
      %eq3A_18 = arith.cmpi eq, %add3A, %eq3A_17 : i32
      %jit3A_19 = arith.constant 13 : i32
      %select_n3A_20 = arith.select %eq3A_18, %jit3A_19, %select_n3A_16 : i32
      %eq3A_21 = arith.constant 5 : i32
      %eq3A_22 = arith.cmpi eq, %add3A, %eq3A_21 : i32
      %jit3A_23 = arith.constant 17 : i32
      %select_n3A_24 = arith.select %eq3A_22, %jit3A_23, %select_n3A_20 : i32
      %eq3A_25 = arith.constant 6 : i32
      %eq3A_26 = arith.cmpi eq, %add3A, %eq3A_25 : i32
      %jit3A_27 = arith.constant 19 : i32
      %select_n3A_28 = arith.select %eq3A_26, %jit3A_27, %select_n3A_24 : i32
      %eq3A_29 = arith.constant 7 : i32
      %eq3A_30 = arith.cmpi eq, %add3A, %eq3A_29 : i32
      %jit3A_31 = arith.constant 23 : i32
      %select_n3A_32 = arith.select %eq3A_30, %jit3A_31, %select_n3A_28 : i32
      %eq3A_33 = arith.constant 8 : i32
      %eq3A_34 = arith.cmpi eq, %add3A, %eq3A_33 : i32
      %jit3A_35 = arith.constant 29 : i32
      %select_n3A_36 = arith.select %eq3A_34, %jit3A_35, %select_n3A_32 : i32
      %eq3A_37 = arith.constant 9 : i32
      %eq3A_38 = arith.cmpi eq, %add3A, %eq3A_37 : i32
      %jit3A_39 = arith.constant 31 : i32
      %select_n3A_40 = arith.select %eq3A_38, %jit3A_39, %select_n3A_36 : i32
      %eq3A_41 = arith.constant 10 : i32
      %eq3A_42 = arith.cmpi eq, %add3A, %eq3A_41 : i32
      %jit3A_43 = arith.constant 37 : i32
      %select_n3A_44 = arith.select %eq3A_42, %jit3A_43, %select_n3A_40 : i32
      %eq3A_45 = arith.constant 11 : i32
      %eq3A_46 = arith.cmpi eq, %add3A, %eq3A_45 : i32
      %jit3A_47 = arith.constant 41 : i32
      %select_n3A_48 = arith.select %eq3A_46, %jit3A_47, %select_n3A_44 : i32
      %eq3A_49 = arith.constant 12 : i32
      %eq3A_50 = arith.cmpi eq, %add3A, %eq3A_49 : i32
      %jit3A_51 = arith.constant 43 : i32
      %select_n3A_52 = arith.select %eq3A_50, %jit3A_51, %select_n3A_48 : i32
      %eq3A_53 = arith.constant 13 : i32
      %eq3A_54 = arith.cmpi eq, %add3A, %eq3A_53 : i32
      %jit3A_55 = arith.constant 47 : i32
      %select_n3A_56 = arith.select %eq3A_54, %jit3A_55, %select_n3A_52 : i32
      %eq3A_57 = arith.constant 14 : i32
      %eq3A_58 = arith.cmpi eq, %add3A, %eq3A_57 : i32
      %jit3A_59 = arith.constant 53 : i32
      %select_n3A_60 = arith.select %eq3A_58, %jit3A_59, %select_n3A_56 : i32
      %eq3A_61 = arith.constant 15 : i32
      %eq3A_62 = arith.cmpi eq, %add3A, %eq3A_61 : i32
      %jit3A_63 = arith.constant 59 : i32
      %select_n3A_64 = arith.select %eq3A_62, %jit3A_63, %select_n3A_60 : i32
      %eq3A_65 = arith.constant 16 : i32
      %eq3A_66 = arith.cmpi eq, %add3A, %eq3A_65 : i32
      %jit3A_67 = arith.constant 61 : i32
      %select_n3A_68 = arith.select %eq3A_66, %jit3A_67, %select_n3A_64 : i32
      %eq3A_69 = arith.constant 17 : i32
      %eq3A_70 = arith.cmpi eq, %add3A, %eq3A_69 : i32
      %jit3A_71 = arith.constant 67 : i32
      %select_n3A_72 = arith.select %eq3A_70, %jit3A_71, %select_n3A_68 : i32
      %eq3A_73 = arith.constant 18 : i32
      %eq3A_74 = arith.cmpi eq, %add3A, %eq3A_73 : i32
      %jit3A_75 = arith.constant 71 : i32
      %select_n3A_76 = arith.select %eq3A_74, %jit3A_75, %select_n3A_72 : i32
      %eq3A_77 = arith.constant 19 : i32
      %eq3A_78 = arith.cmpi eq, %add3A, %eq3A_77 : i32
      %jit3A_79 = arith.constant 73 : i32
      %select_n3A_80 = arith.select %eq3A_78, %jit3A_79, %select_n3A_76 : i32
      %eq3A_81 = arith.constant 20 : i32
      %eq3A_82 = arith.cmpi eq, %add3A, %eq3A_81 : i32
      %jit3A_83 = arith.constant 79 : i32
      %select_n3A_84 = arith.select %eq3A_82, %jit3A_83, %select_n3A_80 : i32
      %eq3A_85 = arith.constant 21 : i32
      %eq3A_86 = arith.cmpi eq, %add3A, %eq3A_85 : i32
      %jit3A_87 = arith.constant 83 : i32
      %select_n3A_88 = arith.select %eq3A_86, %jit3A_87, %select_n3A_84 : i32
      %eq3A_89 = arith.constant 22 : i32
      %eq3A_90 = arith.cmpi eq, %add3A, %eq3A_89 : i32
      %jit3A_91 = arith.constant 89 : i32
      %select_n3A_92 = arith.select %eq3A_90, %jit3A_91, %select_n3A_88 : i32
      %eq3A_93 = arith.constant 23 : i32
      %eq3A_94 = arith.cmpi eq, %add3A, %eq3A_93 : i32
      %jit3A_95 = arith.constant 91 : i32
      %select_n3A_96 = arith.select %eq3A_94, %jit3A_95, %select_n3A_92 : i32
      %eq3A_97 = arith.constant 24 : i32
      %eq3A_98 = arith.cmpi eq, %add3A, %eq3A_97 : i32
      %jit3A_99 = arith.constant 95 : i32
      %select_n3A_100 = arith.select %eq3A_98, %jit3A_99, %select_n3A_96 : i32
      %eq3A_101 = arith.constant 25 : i32
      %eq3A_102 = arith.cmpi eq, %add3A, %eq3A_101 : i32
      %jit3A_103 = arith.constant 97 : i32
      %select_n3A_104 = arith.select %eq3A_102, %jit3A_103, %select_n3A_100 : i32
      %dma_start3A = arith.constant 0 : i32
      %dma_start3A_105 = arith.constant 0 : i32
      %dma_start3A_106 = arith.constant 0 : i32
      %dma_start3A_107 = tpu.memref_slice %arg4[%dma_start3A, %dma_start3A_105, %dma_start3A_106] : memref<2x8x4096xf32, #tpu.memory_space<vmem>> -> memref<1x8x4096xf32, #tpu.memory_space<vmem>>
      %dma_start3A_108 = tpu.memref_squeeze %dma_start3A_107 : memref<1x8x4096xf32, #tpu.memory_space<vmem>> -> memref<8x4096xf32, #tpu.memory_space<vmem>>
      %dma_start3A_109 = arith.constant 0 : i32
      %dma_start3A_110 = arith.constant 0 : i32
      %dma_start3A_111 = tpu.memref_slice %arg2[%select_n3A_104, %dma_start3A_109, %dma_start3A_110] : memref<100x64x4096xf32, #tpu.memory_space<hbm>> -> memref<1x8x4096xf32, #tpu.memory_space<hbm>>
      %dma_start3A_112 = tpu.memref_squeeze %dma_start3A_111 : memref<1x8x4096xf32, #tpu.memory_space<hbm>> -> memref<8x4096xf32, #tpu.memory_space<hbm>>
      %dma_start3A_113 = arith.constant 0 : i32
      %dma_start3A_114 = arith.constant 0 : i32
      %dma_start3A_115 = tpu.memref_slice %arg4[%dma_start3A, %dma_start3A_113, %dma_start3A_114] : memref<2x8x4096xf32, #tpu.memory_space<vmem>> -> memref<1x8x4096xf32, #tpu.memory_space<vmem>>
      %dma_start3A_116 = tpu.memref_squeeze %dma_start3A_115 : memref<1x8x4096xf32, #tpu.memory_space<vmem>> -> memref<8x4096xf32, #tpu.memory_space<vmem>>
      %dma_start3A_117 = arith.constant 0 : i32
      %dma_start3A_118 = arith.constant 0 : i32
      %dma_start3A_119 = tpu.memref_slice %arg2[%select_n3A_104, %dma_start3A_117, %dma_start3A_118] : memref<100x64x4096xf32, #tpu.memory_space<hbm>> -> memref<1x8x4096xf32, #tpu.memory_space<hbm>>
      %dma_start3A_120 = tpu.memref_squeeze %dma_start3A_119 : memref<1x8x4096xf32, #tpu.memory_space<hbm>> -> memref<8x4096xf32, #tpu.memory_space<hbm>>
      tpu.enqueue_dma source(%dma_start3A_120 : memref<8x4096xf32, #tpu.memory_space<hbm>>) target(%dma_start3A_116 : memref<8x4096xf32, #tpu.memory_space<vmem>>) target_semaphore(%arg5 : memref<!tpu.dma_semaphore, #tpu.memory_space<semaphore_mem>>)
      %dma_start3A_121 = arith.constant 1 : i32
      %dma_start3A_122 = arith.constant 0 : i32
      %dma_start3A_123 = arith.constant 0 : i32
      %dma_start3A_124 = tpu.memref_slice %arg4[%dma_start3A_121, %dma_start3A_122, %dma_start3A_123] : memref<2x8x4096xf32, #tpu.memory_space<vmem>> -> memref<1x8x4096xf32, #tpu.memory_space<vmem>>
      %dma_start3A_125 = tpu.memref_squeeze %dma_start3A_124 : memref<1x8x4096xf32, #tpu.memory_space<vmem>> -> memref<8x4096xf32, #tpu.memory_space<vmem>>
      %dma_start3A_126 = arith.constant 8 : i32
      %dma_start3A_127 = arith.constant 0 : i32
      %dma_start3A_128 = tpu.memref_slice %arg2[%select_n3A_104, %dma_start3A_126, %dma_start3A_127] : memref<100x64x4096xf32, #tpu.memory_space<hbm>> -> memref<1x8x4096xf32, #tpu.memory_space<hbm>>
      %dma_start3A_129 = tpu.memref_squeeze %dma_start3A_128 : memref<1x8x4096xf32, #tpu.memory_space<hbm>> -> memref<8x4096xf32, #tpu.memory_space<hbm>>
      %dma_start3A_130 = arith.constant 0 : i32
      %dma_start3A_131 = arith.constant 0 : i32
      %dma_start3A_132 = tpu.memref_slice %arg4[%dma_start3A_121, %dma_start3A_130, %dma_start3A_131] : memref<2x8x4096xf32, #tpu.memory_space<vmem>> -> memref<1x8x4096xf32, #tpu.memory_space<vmem>>
      %dma_start3A_133 = tpu.memref_squeeze %dma_start3A_132 : memref<1x8x4096xf32, #tpu.memory_space<vmem>> -> memref<8x4096xf32, #tpu.memory_space<vmem>>
      %dma_start3A_134 = arith.constant 8 : i32
      %dma_start3A_135 = arith.constant 0 : i32
      %dma_start3A_136 = tpu.memref_slice %arg2[%select_n3A_104, %dma_start3A_134, %dma_start3A_135] : memref<100x64x4096xf32, #tpu.memory_space<hbm>> -> memref<1x8x4096xf32, #tpu.memory_space<hbm>>
      %dma_start3A_137 = tpu.memref_squeeze %dma_start3A_136 : memref<1x8x4096xf32, #tpu.memory_space<hbm>> -> memref<8x4096xf32, #tpu.memory_space<hbm>>
      tpu.enqueue_dma source(%dma_start3A_137 : memref<8x4096xf32, #tpu.memory_space<hbm>>) target(%dma_start3A_133 : memref<8x4096xf32, #tpu.memory_space<vmem>>) target_semaphore(%arg6 : memref<!tpu.dma_semaphore, #tpu.memory_space<semaphore_mem>>)
      %dma_wait3A = arith.constant 0 : i32
      %dma_wait3A_138 = arith.constant 0 : i32
      %dma_wait3A_139 = arith.constant 0 : i32
      %dma_wait3A_140 = tpu.memref_slice %arg4[%dma_wait3A, %dma_wait3A_138, %dma_wait3A_139] : memref<2x8x4096xf32, #tpu.memory_space<vmem>> -> memref<1x8x4096xf32, #tpu.memory_space<vmem>>
      %dma_wait3A_141 = tpu.memref_squeeze %dma_wait3A_140 : memref<1x8x4096xf32, #tpu.memory_space<vmem>> -> memref<8x4096xf32, #tpu.memory_space<vmem>>
      %dma_wait3A_142 = arith.constant 0 : i32
      %dma_wait3A_143 = arith.constant 0 : i32
      %dma_wait3A_144 = tpu.memref_slice %arg2[%select_n3A_104, %dma_wait3A_142, %dma_wait3A_143] : memref<100x64x4096xf32, #tpu.memory_space<hbm>> -> memref<1x8x4096xf32, #tpu.memory_space<hbm>>
      %dma_wait3A_145 = tpu.memref_squeeze %dma_wait3A_144 : memref<1x8x4096xf32, #tpu.memory_space<hbm>> -> memref<8x4096xf32, #tpu.memory_space<hbm>>
      %dma_wait3A_146 = arith.constant 0 : i32
      %dma_wait3A_147 = arith.constant 0 : i32
      %dma_wait3A_148 = tpu.memref_slice %arg4[%dma_wait3A, %dma_wait3A_146, %dma_wait3A_147] : memref<2x8x4096xf32, #tpu.memory_space<vmem>> -> memref<1x8x4096xf32, #tpu.memory_space<vmem>>
      %dma_wait3A_149 = tpu.memref_squeeze %dma_wait3A_148 : memref<1x8x4096xf32, #tpu.memory_space<vmem>> -> memref<8x4096xf32, #tpu.memory_space<vmem>>
      %dma_wait3A_150 = arith.constant 0 : i32
      %dma_wait3A_151 = arith.constant 0 : i32
      %dma_wait3A_152 = tpu.memref_slice %arg2[%select_n3A_104, %dma_wait3A_150, %dma_wait3A_151] : memref<100x64x4096xf32, #tpu.memory_space<hbm>> -> memref<1x8x4096xf32, #tpu.memory_space<hbm>>
      %dma_wait3A_153 = tpu.memref_squeeze %dma_wait3A_152 : memref<1x8x4096xf32, #tpu.memory_space<hbm>> -> memref<8x4096xf32, #tpu.memory_space<hbm>>
      tpu.wait_dma2 semaphore(%arg5 : memref<!tpu.dma_semaphore, #tpu.memory_space<semaphore_mem>>) src(%dma_wait3A_153 : memref<8x4096xf32, #tpu.memory_space<hbm>>) dst(%dma_wait3A_149 : memref<8x4096xf32, #tpu.memory_space<vmem>>)
      %dma_start3A_154 = arith.constant 0 : i32
      %dma_start3A_155 = arith.constant 0 : i32
      %dma_start3A_156 = arith.constant 0 : i32
      %dma_start3A_157 = tpu.memref_slice %arg4[%dma_start3A_154, %dma_start3A_155, %dma_start3A_156] : memref<2x8x4096xf32, #tpu.memory_space<vmem>> -> memref<1x8x4096xf32, #tpu.memory_space<vmem>>
      %dma_start3A_158 = tpu.memref_squeeze %dma_start3A_157 : memref<1x8x4096xf32, #tpu.memory_space<vmem>> -> memref<8x4096xf32, #tpu.memory_space<vmem>>
      %dma_start3A_159 = arith.constant 0 : i32
      %dma_start3A_160 = arith.constant 0 : i32
      %dma_start3A_161 = tpu.memref_slice %arg3[%add3A, %dma_start3A_159, %dma_start3A_160] : memref<26x64x4096xf32, #tpu.memory_space<hbm>> -> memref<1x8x4096xf32, #tpu.memory_space<hbm>>
      %dma_start3A_162 = tpu.memref_squeeze %dma_start3A_161 : memref<1x8x4096xf32, #tpu.memory_space<hbm>> -> memref<8x4096xf32, #tpu.memory_space<hbm>>
      %dma_start3A_163 = arith.constant 0 : i32
      %dma_start3A_164 = arith.constant 0 : i32
      %dma_start3A_165 = tpu.memref_slice %arg3[%add3A, %dma_start3A_163, %dma_start3A_164] : memref<26x64x4096xf32, #tpu.memory_space<hbm>> -> memref<1x8x4096xf32, #tpu.memory_space<hbm>>
      %dma_start3A_166 = tpu.memref_squeeze %dma_start3A_165 : memref<1x8x4096xf32, #tpu.memory_space<hbm>> -> memref<8x4096xf32, #tpu.memory_space<hbm>>
      %dma_start3A_167 = arith.constant 0 : i32
      %dma_start3A_168 = arith.constant 0 : i32
      %dma_start3A_169 = tpu.memref_slice %arg4[%dma_start3A_154, %dma_start3A_167, %dma_start3A_168] : memref<2x8x4096xf32, #tpu.memory_space<vmem>> -> memref<1x8x4096xf32, #tpu.memory_space<vmem>>
      %dma_start3A_170 = tpu.memref_squeeze %dma_start3A_169 : memref<1x8x4096xf32, #tpu.memory_space<vmem>> -> memref<8x4096xf32, #tpu.memory_space<vmem>>
      tpu.enqueue_dma source(%dma_start3A_170 : memref<8x4096xf32, #tpu.memory_space<vmem>>) target(%dma_start3A_166 : memref<8x4096xf32, #tpu.memory_space<hbm>>) target_semaphore(%arg7 : memref<!tpu.dma_semaphore, #tpu.memory_space<semaphore_mem>>)
      %dma_wait3A_171 = arith.constant 0 : i32
      %dma_wait3A_172 = arith.constant 0 : i32
      %dma_wait3A_173 = arith.constant 0 : i32
      %dma_wait3A_174 = tpu.memref_slice %arg4[%dma_wait3A_171, %dma_wait3A_172, %dma_wait3A_173] : memref<2x8x4096xf32, #tpu.memory_space<vmem>> -> memref<1x8x4096xf32, #tpu.memory_space<vmem>>
      %dma_wait3A_175 = tpu.memref_squeeze %dma_wait3A_174 : memref<1x8x4096xf32, #tpu.memory_space<vmem>> -> memref<8x4096xf32, #tpu.memory_space<vmem>>
      %dma_wait3A_176 = arith.constant 0 : i32
      %dma_wait3A_177 = arith.constant 0 : i32
      %dma_wait3A_178 = tpu.memref_slice %arg3[%add3A, %dma_wait3A_176, %dma_wait3A_177] : memref<26x64x4096xf32, #tpu.memory_space<hbm>> -> memref<1x8x4096xf32, #tpu.memory_space<hbm>>
      %dma_wait3A_179 = tpu.memref_squeeze %dma_wait3A_178 : memref<1x8x4096xf32, #tpu.memory_space<hbm>> -> memref<8x4096xf32, #tpu.memory_space<hbm>>
      %dma_wait3A_180 = arith.constant 0 : i32
      %dma_wait3A_181 = arith.constant 0 : i32
      %dma_wait3A_182 = tpu.memref_slice %arg3[%add3A, %dma_wait3A_180, %dma_wait3A_181] : memref<26x64x4096xf32, #tpu.memory_space<hbm>> -> memref<1x8x4096xf32, #tpu.memory_space<hbm>>
      %dma_wait3A_183 = tpu.memref_squeeze %dma_wait3A_182 : memref<1x8x4096xf32, #tpu.memory_space<hbm>> -> memref<8x4096xf32, #tpu.memory_space<hbm>>
      %dma_wait3A_184 = arith.constant 0 : i32
      %dma_wait3A_185 = arith.constant 0 : i32
      %dma_wait3A_186 = tpu.memref_slice %arg4[%dma_wait3A_171, %dma_wait3A_184, %dma_wait3A_185] : memref<2x8x4096xf32, #tpu.memory_space<vmem>> -> memref<1x8x4096xf32, #tpu.memory_space<vmem>>
      %dma_wait3A_187 = tpu.memref_squeeze %dma_wait3A_186 : memref<1x8x4096xf32, #tpu.memory_space<vmem>> -> memref<8x4096xf32, #tpu.memory_space<vmem>>
      tpu.wait_dma2 semaphore(%arg7 : memref<!tpu.dma_semaphore, #tpu.memory_space<semaphore_mem>>) src(%dma_wait3A_187 : memref<8x4096xf32, #tpu.memory_space<vmem>>) dst(%dma_wait3A_183 : memref<8x4096xf32, #tpu.memory_space<hbm>>)
      %dma_start3A_188 = arith.constant 0 : i32
      %dma_start3A_189 = arith.constant 0 : i32
      %dma_start3A_190 = arith.constant 0 : i32
      %dma_start3A_191 = tpu.memref_slice %arg4[%dma_start3A_188, %dma_start3A_189, %dma_start3A_190] : memref<2x8x4096xf32, #tpu.memory_space<vmem>> -> memref<1x8x4096xf32, #tpu.memory_space<vmem>>
      %dma_start3A_192 = tpu.memref_squeeze %dma_start3A_191 : memref<1x8x4096xf32, #tpu.memory_space<vmem>> -> memref<8x4096xf32, #tpu.memory_space<vmem>>
      %dma_start3A_193 = arith.constant 16 : i32
      %dma_start3A_194 = arith.constant 0 : i32
      %dma_start3A_195 = tpu.memref_slice %arg2[%select_n3A_104, %dma_start3A_193, %dma_start3A_194] : memref<100x64x4096xf32, #tpu.memory_space<hbm>> -> memref<1x8x4096xf32, #tpu.memory_space<hbm>>
      %dma_start3A_196 = tpu.memref_squeeze %dma_start3A_195 : memref<1x8x4096xf32, #tpu.memory_space<hbm>> -> memref<8x4096xf32, #tpu.memory_space<hbm>>
      %dma_start3A_197 = arith.constant 0 : i32
      %dma_start3A_198 = arith.constant 0 : i32
      %dma_start3A_199 = tpu.memref_slice %arg4[%dma_start3A_188, %dma_start3A_197, %dma_start3A_198] : memref<2x8x4096xf32, #tpu.memory_space<vmem>> -> memref<1x8x4096xf32, #tpu.memory_space<vmem>>
      %dma_start3A_200 = tpu.memref_squeeze %dma_start3A_199 : memref<1x8x4096xf32, #tpu.memory_space<vmem>> -> memref<8x4096xf32, #tpu.memory_space<vmem>>
      %dma_start3A_201 = arith.constant 16 : i32
      %dma_start3A_202 = arith.constant 0 : i32
      %dma_start3A_203 = tpu.memref_slice %arg2[%select_n3A_104, %dma_start3A_201, %dma_start3A_202] : memref<100x64x4096xf32, #tpu.memory_space<hbm>> -> memref<1x8x4096xf32, #tpu.memory_space<hbm>>
      %dma_start3A_204 = tpu.memref_squeeze %dma_start3A_203 : memref<1x8x4096xf32, #tpu.memory_space<hbm>> -> memref<8x4096xf32, #tpu.memory_space<hbm>>
      tpu.enqueue_dma source(%dma_start3A_204 : memref<8x4096xf32, #tpu.memory_space<hbm>>) target(%dma_start3A_200 : memref<8x4096xf32, #tpu.memory_space<vmem>>) target_semaphore(%arg5 : memref<!tpu.dma_semaphore, #tpu.memory_space<semaphore_mem>>)
      %dma_wait3A_205 = arith.constant 1 : i32
      %dma_wait3A_206 = arith.constant 0 : i32
      %dma_wait3A_207 = arith.constant 0 : i32
      %dma_wait3A_208 = tpu.memref_slice %arg4[%dma_wait3A_205, %dma_wait3A_206, %dma_wait3A_207] : memref<2x8x4096xf32, #tpu.memory_space<vmem>> -> memref<1x8x4096xf32, #tpu.memory_space<vmem>>
      %dma_wait3A_209 = tpu.memref_squeeze %dma_wait3A_208 : memref<1x8x4096xf32, #tpu.memory_space<vmem>> -> memref<8x4096xf32, #tpu.memory_space<vmem>>
      %dma_wait3A_210 = arith.constant 8 : i32
      %dma_wait3A_211 = arith.constant 0 : i32
      %dma_wait3A_212 = tpu.memref_slice %arg2[%select_n3A_104, %dma_wait3A_210, %dma_wait3A_211] : memref<100x64x4096xf32, #tpu.memory_space<hbm>> -> memref<1x8x4096xf32, #tpu.memory_space<hbm>>
      %dma_wait3A_213 = tpu.memref_squeeze %dma_wait3A_212 : memref<1x8x4096xf32, #tpu.memory_space<hbm>> -> memref<8x4096xf32, #tpu.memory_space<hbm>>
      %dma_wait3A_214 = arith.constant 0 : i32
      %dma_wait3A_215 = arith.constant 0 : i32
      %dma_wait3A_216 = tpu.memref_slice %arg4[%dma_wait3A_205, %dma_wait3A_214, %dma_wait3A_215] : memref<2x8x4096xf32, #tpu.memory_space<vmem>> -> memref<1x8x4096xf32, #tpu.memory_space<vmem>>
      %dma_wait3A_217 = tpu.memref_squeeze %dma_wait3A_216 : memref<1x8x4096xf32, #tpu.memory_space<vmem>> -> memref<8x4096xf32, #tpu.memory_space<vmem>>
      %dma_wait3A_218 = arith.constant 8 : i32
      %dma_wait3A_219 = arith.constant 0 : i32
      %dma_wait3A_220 = tpu.memref_slice %arg2[%select_n3A_104, %dma_wait3A_218, %dma_wait3A_219] : memref<100x64x4096xf32, #tpu.memory_space<hbm>> -> memref<1x8x4096xf32, #tpu.memory_space<hbm>>
      %dma_wait3A_221 = tpu.memref_squeeze %dma_wait3A_220 : memref<1x8x4096xf32, #tpu.memory_space<hbm>> -> memref<8x4096xf32, #tpu.memory_space<hbm>>
      tpu.wait_dma2 semaphore(%arg6 : memref<!tpu.dma_semaphore, #tpu.memory_space<semaphore_mem>>) src(%dma_wait3A_221 : memref<8x4096xf32, #tpu.memory_space<hbm>>) dst(%dma_wait3A_217 : memref<8x4096xf32, #tpu.memory_space<vmem>>)
      %dma_start3A_222 = arith.constant 1 : i32
      %dma_start3A_223 = arith.constant 0 : i32
      %dma_start3A_224 = arith.constant 0 : i32
      %dma_start3A_225 = tpu.memref_slice %arg4[%dma_start3A_222, %dma_start3A_223, %dma_start3A_224] : memref<2x8x4096xf32, #tpu.memory_space<vmem>> -> memref<1x8x4096xf32, #tpu.memory_space<vmem>>
      %dma_start3A_226 = tpu.memref_squeeze %dma_start3A_225 : memref<1x8x4096xf32, #tpu.memory_space<vmem>> -> memref<8x4096xf32, #tpu.memory_space<vmem>>
      %dma_start3A_227 = arith.constant 8 : i32
      %dma_start3A_228 = arith.constant 0 : i32
      %dma_start3A_229 = tpu.memref_slice %arg3[%add3A, %dma_start3A_227, %dma_start3A_228] : memref<26x64x4096xf32, #tpu.memory_space<hbm>> -> memref<1x8x4096xf32, #tpu.memory_space<hbm>>
      %dma_start3A_230 = tpu.memref_squeeze %dma_start3A_229 : memref<1x8x4096xf32, #tpu.memory_space<hbm>> -> memref<8x4096xf32, #tpu.memory_space<hbm>>
      %dma_start3A_231 = arith.constant 8 : i32
      %dma_start3A_232 = arith.constant 0 : i32
      %dma_start3A_233 = tpu.memref_slice %arg3[%add3A, %dma_start3A_231, %dma_start3A_232] : memref<26x64x4096xf32, #tpu.memory_space<hbm>> -> memref<1x8x4096xf32, #tpu.memory_space<hbm>>
      %dma_start3A_234 = tpu.memref_squeeze %dma_start3A_233 : memref<1x8x4096xf32, #tpu.memory_space<hbm>> -> memref<8x4096xf32, #tpu.memory_space<hbm>>
      %dma_start3A_235 = arith.constant 0 : i32
      %dma_start3A_236 = arith.constant 0 : i32
      %dma_start3A_237 = tpu.memref_slice %arg4[%dma_start3A_222, %dma_start3A_235, %dma_start3A_236] : memref<2x8x4096xf32, #tpu.memory_space<vmem>> -> memref<1x8x4096xf32, #tpu.memory_space<vmem>>
      %dma_start3A_238 = tpu.memref_squeeze %dma_start3A_237 : memref<1x8x4096xf32, #tpu.memory_space<vmem>> -> memref<8x4096xf32, #tpu.memory_space<vmem>>
      tpu.enqueue_dma source(%dma_start3A_238 : memref<8x4096xf32, #tpu.memory_space<vmem>>) target(%dma_start3A_234 : memref<8x4096xf32, #tpu.memory_space<hbm>>) target_semaphore(%arg8 : memref<!tpu.dma_semaphore, #tpu.memory_space<semaphore_mem>>)
      %dma_wait3A_239 = arith.constant 1 : i32
      %dma_wait3A_240 = arith.constant 0 : i32
      %dma_wait3A_241 = arith.constant 0 : i32
      %dma_wait3A_242 = tpu.memref_slice %arg4[%dma_wait3A_239, %dma_wait3A_240, %dma_wait3A_241] : memref<2x8x4096xf32, #tpu.memory_space<vmem>> -> memref<1x8x4096xf32, #tpu.memory_space<vmem>>
      %dma_wait3A_243 = tpu.memref_squeeze %dma_wait3A_242 : memref<1x8x4096xf32, #tpu.memory_space<vmem>> -> memref<8x4096xf32, #tpu.memory_space<vmem>>
      %dma_wait3A_244 = arith.constant 8 : i32
      %dma_wait3A_245 = arith.constant 0 : i32
      %dma_wait3A_246 = tpu.memref_slice %arg3[%add3A, %dma_wait3A_244, %dma_wait3A_245] : memref<26x64x4096xf32, #tpu.memory_space<hbm>> -> memref<1x8x4096xf32, #tpu.memory_space<hbm>>
      %dma_wait3A_247 = tpu.memref_squeeze %dma_wait3A_246 : memref<1x8x4096xf32, #tpu.memory_space<hbm>> -> memref<8x4096xf32, #tpu.memory_space<hbm>>
      %dma_wait3A_248 = arith.constant 8 : i32
      %dma_wait3A_249 = arith.constant 0 : i32
      %dma_wait3A_250 = tpu.memref_slice %arg3[%add3A, %dma_wait3A_248, %dma_wait3A_249] : memref<26x64x4096xf32, #tpu.memory_space<hbm>> -> memref<1x8x4096xf32, #tpu.memory_space<hbm>>
      %dma_wait3A_251 = tpu.memref_squeeze %dma_wait3A_250 : memref<1x8x4096xf32, #tpu.memory_space<hbm>> -> memref<8x4096xf32, #tpu.memory_space<hbm>>
      %dma_wait3A_252 = arith.constant 0 : i32
      %dma_wait3A_253 = arith.constant 0 : i32
      %dma_wait3A_254 = tpu.memref_slice %arg4[%dma_wait3A_239, %dma_wait3A_252, %dma_wait3A_253] : memref<2x8x4096xf32, #tpu.memory_space<vmem>> -> memref<1x8x4096xf32, #tpu.memory_space<vmem>>
      %dma_wait3A_255 = tpu.memref_squeeze %dma_wait3A_254 : memref<1x8x4096xf32, #tpu.memory_space<vmem>> -> memref<8x4096xf32, #tpu.memory_space<vmem>>
      tpu.wait_dma2 semaphore(%arg8 : memref<!tpu.dma_semaphore, #tpu.memory_space<semaphore_mem>>) src(%dma_wait3A_255 : memref<8x4096xf32, #tpu.memory_space<vmem>>) dst(%dma_wait3A_251 : memref<8x4096xf32, #tpu.memory_space<hbm>>)
      %dma_start3A_256 = arith.constant 1 : i32
      %dma_start3A_257 = arith.constant 0 : i32
      %dma_start3A_258 = arith.constant 0 : i32
      %dma_start3A_259 = tpu.memref_slice %arg4[%dma_start3A_256, %dma_start3A_257, %dma_start3A_258] : memref<2x8x4096xf32, #tpu.memory_space<vmem>> -> memref<1x8x4096xf32, #tpu.memory_space<vmem>>
      %dma_start3A_260 = tpu.memref_squeeze %dma_start3A_259 : memref<1x8x4096xf32, #tpu.memory_space<vmem>> -> memref<8x4096xf32, #tpu.memory_space<vmem>>
      %dma_start3A_261 = arith.constant 24 : i32
      %dma_start3A_262 = arith.constant 0 : i32
      %dma_start3A_263 = tpu.memref_slice %arg2[%select_n3A_104, %dma_start3A_261, %dma_start3A_262] : memref<100x64x4096xf32, #tpu.memory_space<hbm>> -> memref<1x8x4096xf32, #tpu.memory_space<hbm>>
      %dma_start3A_264 = tpu.memref_squeeze %dma_start3A_263 : memref<1x8x4096xf32, #tpu.memory_space<hbm>> -> memref<8x4096xf32, #tpu.memory_space<hbm>>
      %dma_start3A_265 = arith.constant 0 : i32
      %dma_start3A_266 = arith.constant 0 : i32
      %dma_start3A_267 = tpu.memref_slice %arg4[%dma_start3A_256, %dma_start3A_265, %dma_start3A_266] : memref<2x8x4096xf32, #tpu.memory_space<vmem>> -> memref<1x8x4096xf32, #tpu.memory_space<vmem>>
      %dma_start3A_268 = tpu.memref_squeeze %dma_start3A_267 : memref<1x8x4096xf32, #tpu.memory_space<vmem>> -> memref<8x4096xf32, #tpu.memory_space<vmem>>
      %dma_start3A_269 = arith.constant 24 : i32
      %dma_start3A_270 = arith.constant 0 : i32
      %dma_start3A_271 = tpu.memref_slice %arg2[%select_n3A_104, %dma_start3A_269, %dma_start3A_270] : memref<100x64x4096xf32, #tpu.memory_space<hbm>> -> memref<1x8x4096xf32, #tpu.memory_space<hbm>>
      %dma_start3A_272 = tpu.memref_squeeze %dma_start3A_271 : memref<1x8x4096xf32, #tpu.memory_space<hbm>> -> memref<8x4096xf32, #tpu.memory_space<hbm>>
      tpu.enqueue_dma source(%dma_start3A_272 : memref<8x4096xf32, #tpu.memory_space<hbm>>) target(%dma_start3A_268 : memref<8x4096xf32, #tpu.memory_space<vmem>>) target_semaphore(%arg6 : memref<!tpu.dma_semaphore, #tpu.memory_space<semaphore_mem>>)
      %dma_wait3A_273 = arith.constant 0 : i32
      %dma_wait3A_274 = arith.constant 0 : i32
      %dma_wait3A_275 = arith.constant 0 : i32
      %dma_wait3A_276 = tpu.memref_slice %arg4[%dma_wait3A_273, %dma_wait3A_274, %dma_wait3A_275] : memref<2x8x4096xf32, #tpu.memory_space<vmem>> -> memref<1x8x4096xf32, #tpu.memory_space<vmem>>
      %dma_wait3A_277 = tpu.memref_squeeze %dma_wait3A_276 : memref<1x8x4096xf32, #tpu.memory_space<vmem>> -> memref<8x4096xf32, #tpu.memory_space<vmem>>
      %dma_wait3A_278 = arith.constant 16 : i32
      %dma_wait3A_279 = arith.constant 0 : i32
      %dma_wait3A_280 = tpu.memref_slice %arg2[%select_n3A_104, %dma_wait3A_278, %dma_wait3A_279] : memref<100x64x4096xf32, #tpu.memory_space<hbm>> -> memref<1x8x4096xf32, #tpu.memory_space<hbm>>
      %dma_wait3A_281 = tpu.memref_squeeze %dma_wait3A_280 : memref<1x8x4096xf32, #tpu.memory_space<hbm>> -> memref<8x4096xf32, #tpu.memory_space<hbm>>
      %dma_wait3A_282 = arith.constant 0 : i32
      %dma_wait3A_283 = arith.constant 0 : i32
      %dma_wait3A_284 = tpu.memref_slice %arg4[%dma_wait3A_273, %dma_wait3A_282, %dma_wait3A_283] : memref<2x8x4096xf32, #tpu.memory_space<vmem>> -> memref<1x8x4096xf32, #tpu.memory_space<vmem>>
      %dma_wait3A_285 = tpu.memref_squeeze %dma_wait3A_284 : memref<1x8x4096xf32, #tpu.memory_space<vmem>> -> memref<8x4096xf32, #tpu.memory_space<vmem>>
      %dma_wait3A_286 = arith.constant 16 : i32
      %dma_wait3A_287 = arith.constant 0 : i32
      %dma_wait3A_288 = tpu.memref_slice %arg2[%select_n3A_104, %dma_wait3A_286, %dma_wait3A_287] : memref<100x64x4096xf32, #tpu.memory_space<hbm>> -> memref<1x8x4096xf32, #tpu.memory_space<hbm>>
      %dma_wait3A_289 = tpu.memref_squeeze %dma_wait3A_288 : memref<1x8x4096xf32, #tpu.memory_space<hbm>> -> memref<8x4096xf32, #tpu.memory_space<hbm>>
      tpu.wait_dma2 semaphore(%arg5 : memref<!tpu.dma_semaphore, #tpu.memory_space<semaphore_mem>>) src(%dma_wait3A_289 : memref<8x4096xf32, #tpu.memory_space<hbm>>) dst(%dma_wait3A_285 : memref<8x4096xf32, #tpu.memory_space<vmem>>)
      %dma_start3A_290 = arith.constant 0 : i32
      %dma_start3A_291 = arith.constant 0 : i32
      %dma_start3A_292 = arith.constant 0 : i32
      %dma_start3A_293 = tpu.memref_slice %arg4[%dma_start3A_290, %dma_start3A_291, %dma_start3A_292] : memref<2x8x4096xf32, #tpu.memory_space<vmem>> -> memref<1x8x4096xf32, #tpu.memory_space<vmem>>
      %dma_start3A_294 = tpu.memref_squeeze %dma_start3A_293 : memref<1x8x4096xf32, #tpu.memory_space<vmem>> -> memref<8x4096xf32, #tpu.memory_space<vmem>>
      %dma_start3A_295 = arith.constant 16 : i32
      %dma_start3A_296 = arith.constant 0 : i32
      %dma_start3A_297 = tpu.memref_slice %arg3[%add3A, %dma_start3A_295, %dma_start3A_296] : memref<26x64x4096xf32, #tpu.memory_space<hbm>> -> memref<1x8x4096xf32, #tpu.memory_space<hbm>>
      %dma_start3A_298 = tpu.memref_squeeze %dma_start3A_297 : memref<1x8x4096xf32, #tpu.memory_space<hbm>> -> memref<8x4096xf32, #tpu.memory_space<hbm>>
      %dma_start3A_299 = arith.constant 16 : i32
      %dma_start3A_300 = arith.constant 0 : i32
      %dma_start3A_301 = tpu.memref_slice %arg3[%add3A, %dma_start3A_299, %dma_start3A_300] : memref<26x64x4096xf32, #tpu.memory_space<hbm>> -> memref<1x8x4096xf32, #tpu.memory_space<hbm>>
      %dma_start3A_302 = tpu.memref_squeeze %dma_start3A_301 : memref<1x8x4096xf32, #tpu.memory_space<hbm>> -> memref<8x4096xf32, #tpu.memory_space<hbm>>
      %dma_start3A_303 = arith.constant 0 : i32
      %dma_start3A_304 = arith.constant 0 : i32
      %dma_start3A_305 = tpu.memref_slice %arg4[%dma_start3A_290, %dma_start3A_303, %dma_start3A_304] : memref<2x8x4096xf32, #tpu.memory_space<vmem>> -> memref<1x8x4096xf32, #tpu.memory_space<vmem>>
      %dma_start3A_306 = tpu.memref_squeeze %dma_start3A_305 : memref<1x8x4096xf32, #tpu.memory_space<vmem>> -> memref<8x4096xf32, #tpu.memory_space<vmem>>
      tpu.enqueue_dma source(%dma_start3A_306 : memref<8x4096xf32, #tpu.memory_space<vmem>>) target(%dma_start3A_302 : memref<8x4096xf32, #tpu.memory_space<hbm>>) target_semaphore(%arg7 : memref<!tpu.dma_semaphore, #tpu.memory_space<semaphore_mem>>)
      %dma_wait3A_307 = arith.constant 0 : i32
      %dma_wait3A_308 = arith.constant 0 : i32
      %dma_wait3A_309 = arith.constant 0 : i32
      %dma_wait3A_310 = tpu.memref_slice %arg4[%dma_wait3A_307, %dma_wait3A_308, %dma_wait3A_309] : memref<2x8x4096xf32, #tpu.memory_space<vmem>> -> memref<1x8x4096xf32, #tpu.memory_space<vmem>>
      %dma_wait3A_311 = tpu.memref_squeeze %dma_wait3A_310 : memref<1x8x4096xf32, #tpu.memory_space<vmem>> -> memref<8x4096xf32, #tpu.memory_space<vmem>>
      %dma_wait3A_312 = arith.constant 16 : i32
      %dma_wait3A_313 = arith.constant 0 : i32
      %dma_wait3A_314 = tpu.memref_slice %arg3[%add3A, %dma_wait3A_312, %dma_wait3A_313] : memref<26x64x4096xf32, #tpu.memory_space<hbm>> -> memref<1x8x4096xf32, #tpu.memory_space<hbm>>
      %dma_wait3A_315 = tpu.memref_squeeze %dma_wait3A_314 : memref<1x8x4096xf32, #tpu.memory_space<hbm>> -> memref<8x4096xf32, #tpu.memory_space<hbm>>
      %dma_wait3A_316 = arith.constant 16 : i32
      %dma_wait3A_317 = arith.constant 0 : i32
      %dma_wait3A_318 = tpu.memref_slice %arg3[%add3A, %dma_wait3A_316, %dma_wait3A_317] : memref<26x64x4096xf32, #tpu.memory_space<hbm>> -> memref<1x8x4096xf32, #tpu.memory_space<hbm>>
      %dma_wait3A_319 = tpu.memref_squeeze %dma_wait3A_318 : memref<1x8x4096xf32, #tpu.memory_space<hbm>> -> memref<8x4096xf32, #tpu.memory_space<hbm>>
      %dma_wait3A_320 = arith.constant 0 : i32
      %dma_wait3A_321 = arith.constant 0 : i32
      %dma_wait3A_322 = tpu.memref_slice %arg4[%dma_wait3A_307, %dma_wait3A_320, %dma_wait3A_321] : memref<2x8x4096xf32, #tpu.memory_space<vmem>> -> memref<1x8x4096xf32, #tpu.memory_space<vmem>>
      %dma_wait3A_323 = tpu.memref_squeeze %dma_wait3A_322 : memref<1x8x4096xf32, #tpu.memory_space<vmem>> -> memref<8x4096xf32, #tpu.memory_space<vmem>>
      tpu.wait_dma2 semaphore(%arg7 : memref<!tpu.dma_semaphore, #tpu.memory_space<semaphore_mem>>) src(%dma_wait3A_323 : memref<8x4096xf32, #tpu.memory_space<vmem>>) dst(%dma_wait3A_319 : memref<8x4096xf32, #tpu.memory_space<hbm>>)
      %dma_start3A_324 = arith.constant 0 : i32
      %dma_start3A_325 = arith.constant 0 : i32
      %dma_start3A_326 = arith.constant 0 : i32
      %dma_start3A_327 = tpu.memref_slice %arg4[%dma_start3A_324, %dma_start3A_325, %dma_start3A_326] : memref<2x8x4096xf32, #tpu.memory_space<vmem>> -> memref<1x8x4096xf32, #tpu.memory_space<vmem>>
      %dma_start3A_328 = tpu.memref_squeeze %dma_start3A_327 : memref<1x8x4096xf32, #tpu.memory_space<vmem>> -> memref<8x4096xf32, #tpu.memory_space<vmem>>
      %dma_start3A_329 = arith.constant 32 : i32
      %dma_start3A_330 = arith.constant 0 : i32
      %dma_start3A_331 = tpu.memref_slice %arg2[%select_n3A_104, %dma_start3A_329, %dma_start3A_330] : memref<100x64x4096xf32, #tpu.memory_space<hbm>> -> memref<1x8x4096xf32, #tpu.memory_space<hbm>>
      %dma_start3A_332 = tpu.memref_squeeze %dma_start3A_331 : memref<1x8x4096xf32, #tpu.memory_space<hbm>> -> memref<8x4096xf32, #tpu.memory_space<hbm>>
      %dma_start3A_333 = arith.constant 0 : i32
      %dma_start3A_334 = arith.constant 0 : i32
      %dma_start3A_335 = tpu.memref_slice %arg4[%dma_start3A_324, %dma_start3A_333, %dma_start3A_334] : memref<2x8x4096xf32, #tpu.memory_space<vmem>> -> memref<1x8x4096xf32, #tpu.memory_space<vmem>>
      %dma_start3A_336 = tpu.memref_squeeze %dma_start3A_335 : memref<1x8x4096xf32, #tpu.memory_space<vmem>> -> memref<8x4096xf32, #tpu.memory_space<vmem>>
      %dma_start3A_337 = arith.constant 32 : i32
      %dma_start3A_338 = arith.constant 0 : i32
      %dma_start3A_339 = tpu.memref_slice %arg2[%select_n3A_104, %dma_start3A_337, %dma_start3A_338] : memref<100x64x4096xf32, #tpu.memory_space<hbm>> -> memref<1x8x4096xf32, #tpu.memory_space<hbm>>
      %dma_start3A_340 = tpu.memref_squeeze %dma_start3A_339 : memref<1x8x4096xf32, #tpu.memory_space<hbm>> -> memref<8x4096xf32, #tpu.memory_space<hbm>>
      tpu.enqueue_dma source(%dma_start3A_340 : memref<8x4096xf32, #tpu.memory_space<hbm>>) target(%dma_start3A_336 : memref<8x4096xf32, #tpu.memory_space<vmem>>) target_semaphore(%arg5 : memref<!tpu.dma_semaphore, #tpu.memory_space<semaphore_mem>>)
      %dma_wait3A_341 = arith.constant 1 : i32
      %dma_wait3A_342 = arith.constant 0 : i32
      %dma_wait3A_343 = arith.constant 0 : i32
      %dma_wait3A_344 = tpu.memref_slice %arg4[%dma_wait3A_341, %dma_wait3A_342, %dma_wait3A_343] : memref<2x8x4096xf32, #tpu.memory_space<vmem>> -> memref<1x8x4096xf32, #tpu.memory_space<vmem>>
      %dma_wait3A_345 = tpu.memref_squeeze %dma_wait3A_344 : memref<1x8x4096xf32, #tpu.memory_space<vmem>> -> memref<8x4096xf32, #tpu.memory_space<vmem>>
      %dma_wait3A_346 = arith.constant 24 : i32
      %dma_wait3A_347 = arith.constant 0 : i32
      %dma_wait3A_348 = tpu.memref_slice %arg2[%select_n3A_104, %dma_wait3A_346, %dma_wait3A_347] : memref<100x64x4096xf32, #tpu.memory_space<hbm>> -> memref<1x8x4096xf32, #tpu.memory_space<hbm>>
      %dma_wait3A_349 = tpu.memref_squeeze %dma_wait3A_348 : memref<1x8x4096xf32, #tpu.memory_space<hbm>> -> memref<8x4096xf32, #tpu.memory_space<hbm>>
      %dma_wait3A_350 = arith.constant 0 : i32
      %dma_wait3A_351 = arith.constant 0 : i32
      %dma_wait3A_352 = tpu.memref_slice %arg4[%dma_wait3A_341, %dma_wait3A_350, %dma_wait3A_351] : memref<2x8x4096xf32, #tpu.memory_space<vmem>> -> memref<1x8x4096xf32, #tpu.memory_space<vmem>>
      %dma_wait3A_353 = tpu.memref_squeeze %dma_wait3A_352 : memref<1x8x4096xf32, #tpu.memory_space<vmem>> -> memref<8x4096xf32, #tpu.memory_space<vmem>>
      %dma_wait3A_354 = arith.constant 24 : i32
      %dma_wait3A_355 = arith.constant 0 : i32
      %dma_wait3A_356 = tpu.memref_slice %arg2[%select_n3A_104, %dma_wait3A_354, %dma_wait3A_355] : memref<100x64x4096xf32, #tpu.memory_space<hbm>> -> memref<1x8x4096xf32, #tpu.memory_space<hbm>>
      %dma_wait3A_357 = tpu.memref_squeeze %dma_wait3A_356 : memref<1x8x4096xf32, #tpu.memory_space<hbm>> -> memref<8x4096xf32, #tpu.memory_space<hbm>>
      tpu.wait_dma2 semaphore(%arg6 : memref<!tpu.dma_semaphore, #tpu.memory_space<semaphore_mem>>) src(%dma_wait3A_357 : memref<8x4096xf32, #tpu.memory_space<hbm>>) dst(%dma_wait3A_353 : memref<8x4096xf32, #tpu.memory_space<vmem>>)
      %dma_start3A_358 = arith.constant 1 : i32
      %dma_start3A_359 = arith.constant 0 : i32
      %dma_start3A_360 = arith.constant 0 : i32
      %dma_start3A_361 = tpu.memref_slice %arg4[%dma_start3A_358, %dma_start3A_359, %dma_start3A_360] : memref<2x8x4096xf32, #tpu.memory_space<vmem>> -> memref<1x8x4096xf32, #tpu.memory_space<vmem>>
      %dma_start3A_362 = tpu.memref_squeeze %dma_start3A_361 : memref<1x8x4096xf32, #tpu.memory_space<vmem>> -> memref<8x4096xf32, #tpu.memory_space<vmem>>
      %dma_start3A_363 = arith.constant 24 : i32
      %dma_start3A_364 = arith.constant 0 : i32
      %dma_start3A_365 = tpu.memref_slice %arg3[%add3A, %dma_start3A_363, %dma_start3A_364] : memref<26x64x4096xf32, #tpu.memory_space<hbm>> -> memref<1x8x4096xf32, #tpu.memory_space<hbm>>
      %dma_start3A_366 = tpu.memref_squeeze %dma_start3A_365 : memref<1x8x4096xf32, #tpu.memory_space<hbm>> -> memref<8x4096xf32, #tpu.memory_space<hbm>>
      %dma_start3A_367 = arith.constant 24 : i32
      %dma_start3A_368 = arith.constant 0 : i32
      %dma_start3A_369 = tpu.memref_slice %arg3[%add3A, %dma_start3A_367, %dma_start3A_368] : memref<26x64x4096xf32, #tpu.memory_space<hbm>> -> memref<1x8x4096xf32, #tpu.memory_space<hbm>>
      %dma_start3A_370 = tpu.memref_squeeze %dma_start3A_369 : memref<1x8x4096xf32, #tpu.memory_space<hbm>> -> memref<8x4096xf32, #tpu.memory_space<hbm>>
      %dma_start3A_371 = arith.constant 0 : i32
      %dma_start3A_372 = arith.constant 0 : i32
      %dma_start3A_373 = tpu.memref_slice %arg4[%dma_start3A_358, %dma_start3A_371, %dma_start3A_372] : memref<2x8x4096xf32, #tpu.memory_space<vmem>> -> memref<1x8x4096xf32, #tpu.memory_space<vmem>>
      %dma_start3A_374 = tpu.memref_squeeze %dma_start3A_373 : memref<1x8x4096xf32, #tpu.memory_space<vmem>> -> memref<8x4096xf32, #tpu.memory_space<vmem>>
      tpu.enqueue_dma source(%dma_start3A_374 : memref<8x4096xf32, #tpu.memory_space<vmem>>) target(%dma_start3A_370 : memref<8x4096xf32, #tpu.memory_space<hbm>>) target_semaphore(%arg8 : memref<!tpu.dma_semaphore, #tpu.memory_space<semaphore_mem>>)
      %dma_wait3A_375 = arith.constant 1 : i32
      %dma_wait3A_376 = arith.constant 0 : i32
      %dma_wait3A_377 = arith.constant 0 : i32
      %dma_wait3A_378 = tpu.memref_slice %arg4[%dma_wait3A_375, %dma_wait3A_376, %dma_wait3A_377] : memref<2x8x4096xf32, #tpu.memory_space<vmem>> -> memref<1x8x4096xf32, #tpu.memory_space<vmem>>
      %dma_wait3A_379 = tpu.memref_squeeze %dma_wait3A_378 : memref<1x8x4096xf32, #tpu.memory_space<vmem>> -> memref<8x4096xf32, #tpu.memory_space<vmem>>
      %dma_wait3A_380 = arith.constant 24 : i32
      %dma_wait3A_381 = arith.constant 0 : i32
      %dma_wait3A_382 = tpu.memref_slice %arg3[%add3A, %dma_wait3A_380, %dma_wait3A_381] : memref<26x64x4096xf32, #tpu.memory_space<hbm>> -> memref<1x8x4096xf32, #tpu.memory_space<hbm>>
      %dma_wait3A_383 = tpu.memref_squeeze %dma_wait3A_382 : memref<1x8x4096xf32, #tpu.memory_space<hbm>> -> memref<8x4096xf32, #tpu.memory_space<hbm>>
      %dma_wait3A_384 = arith.constant 24 : i32
      %dma_wait3A_385 = arith.constant 0 : i32
      %dma_wait3A_386 = tpu.memref_slice %arg3[%add3A, %dma_wait3A_384, %dma_wait3A_385] : memref<26x64x4096xf32, #tpu.memory_space<hbm>> -> memref<1x8x4096xf32, #tpu.memory_space<hbm>>
      %dma_wait3A_387 = tpu.memref_squeeze %dma_wait3A_386 : memref<1x8x4096xf32, #tpu.memory_space<hbm>> -> memref<8x4096xf32, #tpu.memory_space<hbm>>
      %dma_wait3A_388 = arith.constant 0 : i32
      %dma_wait3A_389 = arith.constant 0 : i32
      %dma_wait3A_390 = tpu.memref_slice %arg4[%dma_wait3A_375, %dma_wait3A_388, %dma_wait3A_389] : memref<2x8x4096xf32, #tpu.memory_space<vmem>> -> memref<1x8x4096xf32, #tpu.memory_space<vmem>>
      %dma_wait3A_391 = tpu.memref_squeeze %dma_wait3A_390 : memref<1x8x4096xf32, #tpu.memory_space<vmem>> -> memref<8x4096xf32, #tpu.memory_space<vmem>>
      tpu.wait_dma2 semaphore(%arg8 : memref<!tpu.dma_semaphore, #tpu.memory_space<semaphore_mem>>) src(%dma_wait3A_391 : memref<8x4096xf32, #tpu.memory_space<vmem>>) dst(%dma_wait3A_387 : memref<8x4096xf32, #tpu.memory_space<hbm>>)
      %dma_start3A_392 = arith.constant 1 : i32
      %dma_start3A_393 = arith.constant 0 : i32
      %dma_start3A_394 = arith.constant 0 : i32
      %dma_start3A_395 = tpu.memref_slice %arg4[%dma_start3A_392, %dma_start3A_393, %dma_start3A_394] : memref<2x8x4096xf32, #tpu.memory_space<vmem>> -> memref<1x8x4096xf32, #tpu.memory_space<vmem>>
      %dma_start3A_396 = tpu.memref_squeeze %dma_start3A_395 : memref<1x8x4096xf32, #tpu.memory_space<vmem>> -> memref<8x4096xf32, #tpu.memory_space<vmem>>
      %dma_start3A_397 = arith.constant 40 : i32
      %dma_start3A_398 = arith.constant 0 : i32
      %dma_start3A_399 = tpu.memref_slice %arg2[%select_n3A_104, %dma_start3A_397, %dma_start3A_398] : memref<100x64x4096xf32, #tpu.memory_space<hbm>> -> memref<1x8x4096xf32, #tpu.memory_space<hbm>>
      %dma_start3A_400 = tpu.memref_squeeze %dma_start3A_399 : memref<1x8x4096xf32, #tpu.memory_space<hbm>> -> memref<8x4096xf32, #tpu.memory_space<hbm>>
      %dma_start3A_401 = arith.constant 0 : i32
      %dma_start3A_402 = arith.constant 0 : i32
      %dma_start3A_403 = tpu.memref_slice %arg4[%dma_start3A_392, %dma_start3A_401, %dma_start3A_402] : memref<2x8x4096xf32, #tpu.memory_space<vmem>> -> memref<1x8x4096xf32, #tpu.memory_space<vmem>>
      %dma_start3A_404 = tpu.memref_squeeze %dma_start3A_403 : memref<1x8x4096xf32, #tpu.memory_space<vmem>> -> memref<8x4096xf32, #tpu.memory_space<vmem>>
      %dma_start3A_405 = arith.constant 40 : i32
      %dma_start3A_406 = arith.constant 0 : i32
      %dma_start3A_407 = tpu.memref_slice %arg2[%select_n3A_104, %dma_start3A_405, %dma_start3A_406] : memref<100x64x4096xf32, #tpu.memory_space<hbm>> -> memref<1x8x4096xf32, #tpu.memory_space<hbm>>
      %dma_start3A_408 = tpu.memref_squeeze %dma_start3A_407 : memref<1x8x4096xf32, #tpu.memory_space<hbm>> -> memref<8x4096xf32, #tpu.memory_space<hbm>>
      tpu.enqueue_dma source(%dma_start3A_408 : memref<8x4096xf32, #tpu.memory_space<hbm>>) target(%dma_start3A_404 : memref<8x4096xf32, #tpu.memory_space<vmem>>) target_semaphore(%arg6 : memref<!tpu.dma_semaphore, #tpu.memory_space<semaphore_mem>>)
      %dma_wait3A_409 = arith.constant 0 : i32
      %dma_wait3A_410 = arith.constant 0 : i32
      %dma_wait3A_411 = arith.constant 0 : i32
      %dma_wait3A_412 = tpu.memref_slice %arg4[%dma_wait3A_409, %dma_wait3A_410, %dma_wait3A_411] : memref<2x8x4096xf32, #tpu.memory_space<vmem>> -> memref<1x8x4096xf32, #tpu.memory_space<vmem>>
      %dma_wait3A_413 = tpu.memref_squeeze %dma_wait3A_412 : memref<1x8x4096xf32, #tpu.memory_space<vmem>> -> memref<8x4096xf32, #tpu.memory_space<vmem>>
      %dma_wait3A_414 = arith.constant 32 : i32
      %dma_wait3A_415 = arith.constant 0 : i32
      %dma_wait3A_416 = tpu.memref_slice %arg2[%select_n3A_104, %dma_wait3A_414, %dma_wait3A_415] : memref<100x64x4096xf32, #tpu.memory_space<hbm>> -> memref<1x8x4096xf32, #tpu.memory_space<hbm>>
      %dma_wait3A_417 = tpu.memref_squeeze %dma_wait3A_416 : memref<1x8x4096xf32, #tpu.memory_space<hbm>> -> memref<8x4096xf32, #tpu.memory_space<hbm>>
      %dma_wait3A_418 = arith.constant 0 : i32
      %dma_wait3A_419 = arith.constant 0 : i32
      %dma_wait3A_420 = tpu.memref_slice %arg4[%dma_wait3A_409, %dma_wait3A_418, %dma_wait3A_419] : memref<2x8x4096xf32, #tpu.memory_space<vmem>> -> memref<1x8x4096xf32, #tpu.memory_space<vmem>>
      %dma_wait3A_421 = tpu.memref_squeeze %dma_wait3A_420 : memref<1x8x4096xf32, #tpu.memory_space<vmem>> -> memref<8x4096xf32, #tpu.memory_space<vmem>>
      %dma_wait3A_422 = arith.constant 32 : i32
      %dma_wait3A_423 = arith.constant 0 : i32
      %dma_wait3A_424 = tpu.memref_slice %arg2[%select_n3A_104, %dma_wait3A_422, %dma_wait3A_423] : memref<100x64x4096xf32, #tpu.memory_space<hbm>> -> memref<1x8x4096xf32, #tpu.memory_space<hbm>>
      %dma_wait3A_425 = tpu.memref_squeeze %dma_wait3A_424 : memref<1x8x4096xf32, #tpu.memory_space<hbm>> -> memref<8x4096xf32, #tpu.memory_space<hbm>>
      tpu.wait_dma2 semaphore(%arg5 : memref<!tpu.dma_semaphore, #tpu.memory_space<semaphore_mem>>) src(%dma_wait3A_425 : memref<8x4096xf32, #tpu.memory_space<hbm>>) dst(%dma_wait3A_421 : memref<8x4096xf32, #tpu.memory_space<vmem>>)
      %dma_start3A_426 = arith.constant 0 : i32
      %dma_start3A_427 = arith.constant 0 : i32
      %dma_start3A_428 = arith.constant 0 : i32
      %dma_start3A_429 = tpu.memref_slice %arg4[%dma_start3A_426, %dma_start3A_427, %dma_start3A_428] : memref<2x8x4096xf32, #tpu.memory_space<vmem>> -> memref<1x8x4096xf32, #tpu.memory_space<vmem>>
      %dma_start3A_430 = tpu.memref_squeeze %dma_start3A_429 : memref<1x8x4096xf32, #tpu.memory_space<vmem>> -> memref<8x4096xf32, #tpu.memory_space<vmem>>
      %dma_start3A_431 = arith.constant 32 : i32
      %dma_start3A_432 = arith.constant 0 : i32
      %dma_start3A_433 = tpu.memref_slice %arg3[%add3A, %dma_start3A_431, %dma_start3A_432] : memref<26x64x4096xf32, #tpu.memory_space<hbm>> -> memref<1x8x4096xf32, #tpu.memory_space<hbm>>
      %dma_start3A_434 = tpu.memref_squeeze %dma_start3A_433 : memref<1x8x4096xf32, #tpu.memory_space<hbm>> -> memref<8x4096xf32, #tpu.memory_space<hbm>>
      %dma_start3A_435 = arith.constant 32 : i32
      %dma_start3A_436 = arith.constant 0 : i32
      %dma_start3A_437 = tpu.memref_slice %arg3[%add3A, %dma_start3A_435, %dma_start3A_436] : memref<26x64x4096xf32, #tpu.memory_space<hbm>> -> memref<1x8x4096xf32, #tpu.memory_space<hbm>>
      %dma_start3A_438 = tpu.memref_squeeze %dma_start3A_437 : memref<1x8x4096xf32, #tpu.memory_space<hbm>> -> memref<8x4096xf32, #tpu.memory_space<hbm>>
      %dma_start3A_439 = arith.constant 0 : i32
      %dma_start3A_440 = arith.constant 0 : i32
      %dma_start3A_441 = tpu.memref_slice %arg4[%dma_start3A_426, %dma_start3A_439, %dma_start3A_440] : memref<2x8x4096xf32, #tpu.memory_space<vmem>> -> memref<1x8x4096xf32, #tpu.memory_space<vmem>>
      %dma_start3A_442 = tpu.memref_squeeze %dma_start3A_441 : memref<1x8x4096xf32, #tpu.memory_space<vmem>> -> memref<8x4096xf32, #tpu.memory_space<vmem>>
      tpu.enqueue_dma source(%dma_start3A_442 : memref<8x4096xf32, #tpu.memory_space<vmem>>) target(%dma_start3A_438 : memref<8x4096xf32, #tpu.memory_space<hbm>>) target_semaphore(%arg7 : memref<!tpu.dma_semaphore, #tpu.memory_space<semaphore_mem>>)
      %dma_wait3A_443 = arith.constant 0 : i32
      %dma_wait3A_444 = arith.constant 0 : i32
      %dma_wait3A_445 = arith.constant 0 : i32
      %dma_wait3A_446 = tpu.memref_slice %arg4[%dma_wait3A_443, %dma_wait3A_444, %dma_wait3A_445] : memref<2x8x4096xf32, #tpu.memory_space<vmem>> -> memref<1x8x4096xf32, #tpu.memory_space<vmem>>
      %dma_wait3A_447 = tpu.memref_squeeze %dma_wait3A_446 : memref<1x8x4096xf32, #tpu.memory_space<vmem>> -> memref<8x4096xf32, #tpu.memory_space<vmem>>
      %dma_wait3A_448 = arith.constant 32 : i32
      %dma_wait3A_449 = arith.constant 0 : i32
      %dma_wait3A_450 = tpu.memref_slice %arg3[%add3A, %dma_wait3A_448, %dma_wait3A_449] : memref<26x64x4096xf32, #tpu.memory_space<hbm>> -> memref<1x8x4096xf32, #tpu.memory_space<hbm>>
      %dma_wait3A_451 = tpu.memref_squeeze %dma_wait3A_450 : memref<1x8x4096xf32, #tpu.memory_space<hbm>> -> memref<8x4096xf32, #tpu.memory_space<hbm>>
      %dma_wait3A_452 = arith.constant 32 : i32
      %dma_wait3A_453 = arith.constant 0 : i32
      %dma_wait3A_454 = tpu.memref_slice %arg3[%add3A, %dma_wait3A_452, %dma_wait3A_453] : memref<26x64x4096xf32, #tpu.memory_space<hbm>> -> memref<1x8x4096xf32, #tpu.memory_space<hbm>>
      %dma_wait3A_455 = tpu.memref_squeeze %dma_wait3A_454 : memref<1x8x4096xf32, #tpu.memory_space<hbm>> -> memref<8x4096xf32, #tpu.memory_space<hbm>>
      %dma_wait3A_456 = arith.constant 0 : i32
      %dma_wait3A_457 = arith.constant 0 : i32
      %dma_wait3A_458 = tpu.memref_slice %arg4[%dma_wait3A_443, %dma_wait3A_456, %dma_wait3A_457] : memref<2x8x4096xf32, #tpu.memory_space<vmem>> -> memref<1x8x4096xf32, #tpu.memory_space<vmem>>
      %dma_wait3A_459 = tpu.memref_squeeze %dma_wait3A_458 : memref<1x8x4096xf32, #tpu.memory_space<vmem>> -> memref<8x4096xf32, #tpu.memory_space<vmem>>
      tpu.wait_dma2 semaphore(%arg7 : memref<!tpu.dma_semaphore, #tpu.memory_space<semaphore_mem>>) src(%dma_wait3A_459 : memref<8x4096xf32, #tpu.memory_space<vmem>>) dst(%dma_wait3A_455 : memref<8x4096xf32, #tpu.memory_space<hbm>>)
      %dma_start3A_460 = arith.constant 0 : i32
      %dma_start3A_461 = arith.constant 0 : i32
      %dma_start3A_462 = arith.constant 0 : i32
      %dma_start3A_463 = tpu.memref_slice %arg4[%dma_start3A_460, %dma_start3A_461, %dma_start3A_462] : memref<2x8x4096xf32, #tpu.memory_space<vmem>> -> memref<1x8x4096xf32, #tpu.memory_space<vmem>>
      %dma_start3A_464 = tpu.memref_squeeze %dma_start3A_463 : memref<1x8x4096xf32, #tpu.memory_space<vmem>> -> memref<8x4096xf32, #tpu.memory_space<vmem>>
      %dma_start3A_465 = arith.constant 48 : i32
      %dma_start3A_466 = arith.constant 0 : i32
      %dma_start3A_467 = tpu.memref_slice %arg2[%select_n3A_104, %dma_start3A_465, %dma_start3A_466] : memref<100x64x4096xf32, #tpu.memory_space<hbm>> -> memref<1x8x4096xf32, #tpu.memory_space<hbm>>
      %dma_start3A_468 = tpu.memref_squeeze %dma_start3A_467 : memref<1x8x4096xf32, #tpu.memory_space<hbm>> -> memref<8x4096xf32, #tpu.memory_space<hbm>>
      %dma_start3A_469 = arith.constant 0 : i32
      %dma_start3A_470 = arith.constant 0 : i32
      %dma_start3A_471 = tpu.memref_slice %arg4[%dma_start3A_460, %dma_start3A_469, %dma_start3A_470] : memref<2x8x4096xf32, #tpu.memory_space<vmem>> -> memref<1x8x4096xf32, #tpu.memory_space<vmem>>
      %dma_start3A_472 = tpu.memref_squeeze %dma_start3A_471 : memref<1x8x4096xf32, #tpu.memory_space<vmem>> -> memref<8x4096xf32, #tpu.memory_space<vmem>>
      %dma_start3A_473 = arith.constant 48 : i32
      %dma_start3A_474 = arith.constant 0 : i32
      %dma_start3A_475 = tpu.memref_slice %arg2[%select_n3A_104, %dma_start3A_473, %dma_start3A_474] : memref<100x64x4096xf32, #tpu.memory_space<hbm>> -> memref<1x8x4096xf32, #tpu.memory_space<hbm>>
      %dma_start3A_476 = tpu.memref_squeeze %dma_start3A_475 : memref<1x8x4096xf32, #tpu.memory_space<hbm>> -> memref<8x4096xf32, #tpu.memory_space<hbm>>
      tpu.enqueue_dma source(%dma_start3A_476 : memref<8x4096xf32, #tpu.memory_space<hbm>>) target(%dma_start3A_472 : memref<8x4096xf32, #tpu.memory_space<vmem>>) target_semaphore(%arg5 : memref<!tpu.dma_semaphore, #tpu.memory_space<semaphore_mem>>)
      %dma_wait3A_477 = arith.constant 1 : i32
      %dma_wait3A_478 = arith.constant 0 : i32
      %dma_wait3A_479 = arith.constant 0 : i32
      %dma_wait3A_480 = tpu.memref_slice %arg4[%dma_wait3A_477, %dma_wait3A_478, %dma_wait3A_479] : memref<2x8x4096xf32, #tpu.memory_space<vmem>> -> memref<1x8x4096xf32, #tpu.memory_space<vmem>>
      %dma_wait3A_481 = tpu.memref_squeeze %dma_wait3A_480 : memref<1x8x4096xf32, #tpu.memory_space<vmem>> -> memref<8x4096xf32, #tpu.memory_space<vmem>>
      %dma_wait3A_482 = arith.constant 40 : i32
      %dma_wait3A_483 = arith.constant 0 : i32
      %dma_wait3A_484 = tpu.memref_slice %arg2[%select_n3A_104, %dma_wait3A_482, %dma_wait3A_483] : memref<100x64x4096xf32, #tpu.memory_space<hbm>> -> memref<1x8x4096xf32, #tpu.memory_space<hbm>>
      %dma_wait3A_485 = tpu.memref_squeeze %dma_wait3A_484 : memref<1x8x4096xf32, #tpu.memory_space<hbm>> -> memref<8x4096xf32, #tpu.memory_space<hbm>>
      %dma_wait3A_486 = arith.constant 0 : i32
      %dma_wait3A_487 = arith.constant 0 : i32
      %dma_wait3A_488 = tpu.memref_slice %arg4[%dma_wait3A_477, %dma_wait3A_486, %dma_wait3A_487] : memref<2x8x4096xf32, #tpu.memory_space<vmem>> -> memref<1x8x4096xf32, #tpu.memory_space<vmem>>
      %dma_wait3A_489 = tpu.memref_squeeze %dma_wait3A_488 : memref<1x8x4096xf32, #tpu.memory_space<vmem>> -> memref<8x4096xf32, #tpu.memory_space<vmem>>
      %dma_wait3A_490 = arith.constant 40 : i32
      %dma_wait3A_491 = arith.constant 0 : i32
      %dma_wait3A_492 = tpu.memref_slice %arg2[%select_n3A_104, %dma_wait3A_490, %dma_wait3A_491] : memref<100x64x4096xf32, #tpu.memory_space<hbm>> -> memref<1x8x4096xf32, #tpu.memory_space<hbm>>
      %dma_wait3A_493 = tpu.memref_squeeze %dma_wait3A_492 : memref<1x8x4096xf32, #tpu.memory_space<hbm>> -> memref<8x4096xf32, #tpu.memory_space<hbm>>
      tpu.wait_dma2 semaphore(%arg6 : memref<!tpu.dma_semaphore, #tpu.memory_space<semaphore_mem>>) src(%dma_wait3A_493 : memref<8x4096xf32, #tpu.memory_space<hbm>>) dst(%dma_wait3A_489 : memref<8x4096xf32, #tpu.memory_space<vmem>>)
      %dma_start3A_494 = arith.constant 1 : i32
      %dma_start3A_495 = arith.constant 0 : i32
      %dma_start3A_496 = arith.constant 0 : i32
      %dma_start3A_497 = tpu.memref_slice %arg4[%dma_start3A_494, %dma_start3A_495, %dma_start3A_496] : memref<2x8x4096xf32, #tpu.memory_space<vmem>> -> memref<1x8x4096xf32, #tpu.memory_space<vmem>>
      %dma_start3A_498 = tpu.memref_squeeze %dma_start3A_497 : memref<1x8x4096xf32, #tpu.memory_space<vmem>> -> memref<8x4096xf32, #tpu.memory_space<vmem>>
      %dma_start3A_499 = arith.constant 40 : i32
      %dma_start3A_500 = arith.constant 0 : i32
      %dma_start3A_501 = tpu.memref_slice %arg3[%add3A, %dma_start3A_499, %dma_start3A_500] : memref<26x64x4096xf32, #tpu.memory_space<hbm>> -> memref<1x8x4096xf32, #tpu.memory_space<hbm>>
      %dma_start3A_502 = tpu.memref_squeeze %dma_start3A_501 : memref<1x8x4096xf32, #tpu.memory_space<hbm>> -> memref<8x4096xf32, #tpu.memory_space<hbm>>
      %dma_start3A_503 = arith.constant 40 : i32
      %dma_start3A_504 = arith.constant 0 : i32
      %dma_start3A_505 = tpu.memref_slice %arg3[%add3A, %dma_start3A_503, %dma_start3A_504] : memref<26x64x4096xf32, #tpu.memory_space<hbm>> -> memref<1x8x4096xf32, #tpu.memory_space<hbm>>
      %dma_start3A_506 = tpu.memref_squeeze %dma_start3A_505 : memref<1x8x4096xf32, #tpu.memory_space<hbm>> -> memref<8x4096xf32, #tpu.memory_space<hbm>>
      %dma_start3A_507 = arith.constant 0 : i32
      %dma_start3A_508 = arith.constant 0 : i32
      %dma_start3A_509 = tpu.memref_slice %arg4[%dma_start3A_494, %dma_start3A_507, %dma_start3A_508] : memref<2x8x4096xf32, #tpu.memory_space<vmem>> -> memref<1x8x4096xf32, #tpu.memory_space<vmem>>
      %dma_start3A_510 = tpu.memref_squeeze %dma_start3A_509 : memref<1x8x4096xf32, #tpu.memory_space<vmem>> -> memref<8x4096xf32, #tpu.memory_space<vmem>>
      tpu.enqueue_dma source(%dma_start3A_510 : memref<8x4096xf32, #tpu.memory_space<vmem>>) target(%dma_start3A_506 : memref<8x4096xf32, #tpu.memory_space<hbm>>) target_semaphore(%arg8 : memref<!tpu.dma_semaphore, #tpu.memory_space<semaphore_mem>>)
      %dma_wait3A_511 = arith.constant 1 : i32
      %dma_wait3A_512 = arith.constant 0 : i32
      %dma_wait3A_513 = arith.constant 0 : i32
      %dma_wait3A_514 = tpu.memref_slice %arg4[%dma_wait3A_511, %dma_wait3A_512, %dma_wait3A_513] : memref<2x8x4096xf32, #tpu.memory_space<vmem>> -> memref<1x8x4096xf32, #tpu.memory_space<vmem>>
      %dma_wait3A_515 = tpu.memref_squeeze %dma_wait3A_514 : memref<1x8x4096xf32, #tpu.memory_space<vmem>> -> memref<8x4096xf32, #tpu.memory_space<vmem>>
      %dma_wait3A_516 = arith.constant 40 : i32
      %dma_wait3A_517 = arith.constant 0 : i32
      %dma_wait3A_518 = tpu.memref_slice %arg3[%add3A, %dma_wait3A_516, %dma_wait3A_517] : memref<26x64x4096xf32, #tpu.memory_space<hbm>> -> memref<1x8x4096xf32, #tpu.memory_space<hbm>>
      %dma_wait3A_519 = tpu.memref_squeeze %dma_wait3A_518 : memref<1x8x4096xf32, #tpu.memory_space<hbm>> -> memref<8x4096xf32, #tpu.memory_space<hbm>>
      %dma_wait3A_520 = arith.constant 40 : i32
      %dma_wait3A_521 = arith.constant 0 : i32
      %dma_wait3A_522 = tpu.memref_slice %arg3[%add3A, %dma_wait3A_520, %dma_wait3A_521] : memref<26x64x4096xf32, #tpu.memory_space<hbm>> -> memref<1x8x4096xf32, #tpu.memory_space<hbm>>
      %dma_wait3A_523 = tpu.memref_squeeze %dma_wait3A_522 : memref<1x8x4096xf32, #tpu.memory_space<hbm>> -> memref<8x4096xf32, #tpu.memory_space<hbm>>
      %dma_wait3A_524 = arith.constant 0 : i32
      %dma_wait3A_525 = arith.constant 0 : i32
      %dma_wait3A_526 = tpu.memref_slice %arg4[%dma_wait3A_511, %dma_wait3A_524, %dma_wait3A_525] : memref<2x8x4096xf32, #tpu.memory_space<vmem>> -> memref<1x8x4096xf32, #tpu.memory_space<vmem>>
      %dma_wait3A_527 = tpu.memref_squeeze %dma_wait3A_526 : memref<1x8x4096xf32, #tpu.memory_space<vmem>> -> memref<8x4096xf32, #tpu.memory_space<vmem>>
      tpu.wait_dma2 semaphore(%arg8 : memref<!tpu.dma_semaphore, #tpu.memory_space<semaphore_mem>>) src(%dma_wait3A_527 : memref<8x4096xf32, #tpu.memory_space<vmem>>) dst(%dma_wait3A_523 : memref<8x4096xf32, #tpu.memory_space<hbm>>)
      %dma_start3A_528 = arith.constant 1 : i32
      %dma_start3A_529 = arith.constant 0 : i32
      %dma_start3A_530 = arith.constant 0 : i32
      %dma_start3A_531 = tpu.memref_slice %arg4[%dma_start3A_528, %dma_start3A_529, %dma_start3A_530] : memref<2x8x4096xf32, #tpu.memory_space<vmem>> -> memref<1x8x4096xf32, #tpu.memory_space<vmem>>
      %dma_start3A_532 = tpu.memref_squeeze %dma_start3A_531 : memref<1x8x4096xf32, #tpu.memory_space<vmem>> -> memref<8x4096xf32, #tpu.memory_space<vmem>>
      %dma_start3A_533 = arith.constant 56 : i32
      %dma_start3A_534 = arith.constant 0 : i32
      %dma_start3A_535 = tpu.memref_slice %arg2[%select_n3A_104, %dma_start3A_533, %dma_start3A_534] : memref<100x64x4096xf32, #tpu.memory_space<hbm>> -> memref<1x8x4096xf32, #tpu.memory_space<hbm>>
      %dma_start3A_536 = tpu.memref_squeeze %dma_start3A_535 : memref<1x8x4096xf32, #tpu.memory_space<hbm>> -> memref<8x4096xf32, #tpu.memory_space<hbm>>
      %dma_start3A_537 = arith.constant 0 : i32
      %dma_start3A_538 = arith.constant 0 : i32
      %dma_start3A_539 = tpu.memref_slice %arg4[%dma_start3A_528, %dma_start3A_537, %dma_start3A_538] : memref<2x8x4096xf32, #tpu.memory_space<vmem>> -> memref<1x8x4096xf32, #tpu.memory_space<vmem>>
      %dma_start3A_540 = tpu.memref_squeeze %dma_start3A_539 : memref<1x8x4096xf32, #tpu.memory_space<vmem>> -> memref<8x4096xf32, #tpu.memory_space<vmem>>
      %dma_start3A_541 = arith.constant 56 : i32
      %dma_start3A_542 = arith.constant 0 : i32
      %dma_start3A_543 = tpu.memref_slice %arg2[%select_n3A_104, %dma_start3A_541, %dma_start3A_542] : memref<100x64x4096xf32, #tpu.memory_space<hbm>> -> memref<1x8x4096xf32, #tpu.memory_space<hbm>>
      %dma_start3A_544 = tpu.memref_squeeze %dma_start3A_543 : memref<1x8x4096xf32, #tpu.memory_space<hbm>> -> memref<8x4096xf32, #tpu.memory_space<hbm>>
      tpu.enqueue_dma source(%dma_start3A_544 : memref<8x4096xf32, #tpu.memory_space<hbm>>) target(%dma_start3A_540 : memref<8x4096xf32, #tpu.memory_space<vmem>>) target_semaphore(%arg6 : memref<!tpu.dma_semaphore, #tpu.memory_space<semaphore_mem>>)
      %dma_wait3A_545 = arith.constant 0 : i32
      %dma_wait3A_546 = arith.constant 0 : i32
      %dma_wait3A_547 = arith.constant 0 : i32
      %dma_wait3A_548 = tpu.memref_slice %arg4[%dma_wait3A_545, %dma_wait3A_546, %dma_wait3A_547] : memref<2x8x4096xf32, #tpu.memory_space<vmem>> -> memref<1x8x4096xf32, #tpu.memory_space<vmem>>
      %dma_wait3A_549 = tpu.memref_squeeze %dma_wait3A_548 : memref<1x8x4096xf32, #tpu.memory_space<vmem>> -> memref<8x4096xf32, #tpu.memory_space<vmem>>
      %dma_wait3A_550 = arith.constant 48 : i32
      %dma_wait3A_551 = arith.constant 0 : i32
      %dma_wait3A_552 = tpu.memref_slice %arg2[%select_n3A_104, %dma_wait3A_550, %dma_wait3A_551] : memref<100x64x4096xf32, #tpu.memory_space<hbm>> -> memref<1x8x4096xf32, #tpu.memory_space<hbm>>
      %dma_wait3A_553 = tpu.memref_squeeze %dma_wait3A_552 : memref<1x8x4096xf32, #tpu.memory_space<hbm>> -> memref<8x4096xf32, #tpu.memory_space<hbm>>
      %dma_wait3A_554 = arith.constant 0 : i32
      %dma_wait3A_555 = arith.constant 0 : i32
      %dma_wait3A_556 = tpu.memref_slice %arg4[%dma_wait3A_545, %dma_wait3A_554, %dma_wait3A_555] : memref<2x8x4096xf32, #tpu.memory_space<vmem>> -> memref<1x8x4096xf32, #tpu.memory_space<vmem>>
      %dma_wait3A_557 = tpu.memref_squeeze %dma_wait3A_556 : memref<1x8x4096xf32, #tpu.memory_space<vmem>> -> memref<8x4096xf32, #tpu.memory_space<vmem>>
      %dma_wait3A_558 = arith.constant 48 : i32
      %dma_wait3A_559 = arith.constant 0 : i32
      %dma_wait3A_560 = tpu.memref_slice %arg2[%select_n3A_104, %dma_wait3A_558, %dma_wait3A_559] : memref<100x64x4096xf32, #tpu.memory_space<hbm>> -> memref<1x8x4096xf32, #tpu.memory_space<hbm>>
      %dma_wait3A_561 = tpu.memref_squeeze %dma_wait3A_560 : memref<1x8x4096xf32, #tpu.memory_space<hbm>> -> memref<8x4096xf32, #tpu.memory_space<hbm>>
      tpu.wait_dma2 semaphore(%arg5 : memref<!tpu.dma_semaphore, #tpu.memory_space<semaphore_mem>>) src(%dma_wait3A_561 : memref<8x4096xf32, #tpu.memory_space<hbm>>) dst(%dma_wait3A_557 : memref<8x4096xf32, #tpu.memory_space<vmem>>)
      %dma_start3A_562 = arith.constant 0 : i32
      %dma_start3A_563 = arith.constant 0 : i32
      %dma_start3A_564 = arith.constant 0 : i32
      %dma_start3A_565 = tpu.memref_slice %arg4[%dma_start3A_562, %dma_start3A_563, %dma_start3A_564] : memref<2x8x4096xf32, #tpu.memory_space<vmem>> -> memref<1x8x4096xf32, #tpu.memory_space<vmem>>
      %dma_start3A_566 = tpu.memref_squeeze %dma_start3A_565 : memref<1x8x4096xf32, #tpu.memory_space<vmem>> -> memref<8x4096xf32, #tpu.memory_space<vmem>>
      %dma_start3A_567 = arith.constant 48 : i32
      %dma_start3A_568 = arith.constant 0 : i32
      %dma_start3A_569 = tpu.memref_slice %arg3[%add3A, %dma_start3A_567, %dma_start3A_568] : memref<26x64x4096xf32, #tpu.memory_space<hbm>> -> memref<1x8x4096xf32, #tpu.memory_space<hbm>>
      %dma_start3A_570 = tpu.memref_squeeze %dma_start3A_569 : memref<1x8x4096xf32, #tpu.memory_space<hbm>> -> memref<8x4096xf32, #tpu.memory_space<hbm>>
      %dma_start3A_571 = arith.constant 48 : i32
      %dma_start3A_572 = arith.constant 0 : i32
      %dma_start3A_573 = tpu.memref_slice %arg3[%add3A, %dma_start3A_571, %dma_start3A_572] : memref<26x64x4096xf32, #tpu.memory_space<hbm>> -> memref<1x8x4096xf32, #tpu.memory_space<hbm>>
      %dma_start3A_574 = tpu.memref_squeeze %dma_start3A_573 : memref<1x8x4096xf32, #tpu.memory_space<hbm>> -> memref<8x4096xf32, #tpu.memory_space<hbm>>
      %dma_start3A_575 = arith.constant 0 : i32
      %dma_start3A_576 = arith.constant 0 : i32
      %dma_start3A_577 = tpu.memref_slice %arg4[%dma_start3A_562, %dma_start3A_575, %dma_start3A_576] : memref<2x8x4096xf32, #tpu.memory_space<vmem>> -> memref<1x8x4096xf32, #tpu.memory_space<vmem>>
      %dma_start3A_578 = tpu.memref_squeeze %dma_start3A_577 : memref<1x8x4096xf32, #tpu.memory_space<vmem>> -> memref<8x4096xf32, #tpu.memory_space<vmem>>
      tpu.enqueue_dma source(%dma_start3A_578 : memref<8x4096xf32, #tpu.memory_space<vmem>>) target(%dma_start3A_574 : memref<8x4096xf32, #tpu.memory_space<hbm>>) target_semaphore(%arg7 : memref<!tpu.dma_semaphore, #tpu.memory_space<semaphore_mem>>)
      %dma_wait3A_579 = arith.constant 1 : i32
      %dma_wait3A_580 = arith.constant 0 : i32
      %dma_wait3A_581 = arith.constant 0 : i32
      %dma_wait3A_582 = tpu.memref_slice %arg4[%dma_wait3A_579, %dma_wait3A_580, %dma_wait3A_581] : memref<2x8x4096xf32, #tpu.memory_space<vmem>> -> memref<1x8x4096xf32, #tpu.memory_space<vmem>>
      %dma_wait3A_583 = tpu.memref_squeeze %dma_wait3A_582 : memref<1x8x4096xf32, #tpu.memory_space<vmem>> -> memref<8x4096xf32, #tpu.memory_space<vmem>>
      %dma_wait3A_584 = arith.constant 56 : i32
      %dma_wait3A_585 = arith.constant 0 : i32
      %dma_wait3A_586 = tpu.memref_slice %arg2[%select_n3A_104, %dma_wait3A_584, %dma_wait3A_585] : memref<100x64x4096xf32, #tpu.memory_space<hbm>> -> memref<1x8x4096xf32, #tpu.memory_space<hbm>>
      %dma_wait3A_587 = tpu.memref_squeeze %dma_wait3A_586 : memref<1x8x4096xf32, #tpu.memory_space<hbm>> -> memref<8x4096xf32, #tpu.memory_space<hbm>>
      %dma_wait3A_588 = arith.constant 0 : i32
      %dma_wait3A_589 = arith.constant 0 : i32
      %dma_wait3A_590 = tpu.memref_slice %arg4[%dma_wait3A_579, %dma_wait3A_588, %dma_wait3A_589] : memref<2x8x4096xf32, #tpu.memory_space<vmem>> -> memref<1x8x4096xf32, #tpu.memory_space<vmem>>
      %dma_wait3A_591 = tpu.memref_squeeze %dma_wait3A_590 : memref<1x8x4096xf32, #tpu.memory_space<vmem>> -> memref<8x4096xf32, #tpu.memory_space<vmem>>
      %dma_wait3A_592 = arith.constant 56 : i32
      %dma_wait3A_593 = arith.constant 0 : i32
      %dma_wait3A_594 = tpu.memref_slice %arg2[%select_n3A_104, %dma_wait3A_592, %dma_wait3A_593] : memref<100x64x4096xf32, #tpu.memory_space<hbm>> -> memref<1x8x4096xf32, #tpu.memory_space<hbm>>
      %dma_wait3A_595 = tpu.memref_squeeze %dma_wait3A_594 : memref<1x8x4096xf32, #tpu.memory_space<hbm>> -> memref<8x4096xf32, #tpu.memory_space<hbm>>
      tpu.wait_dma2 semaphore(%arg6 : memref<!tpu.dma_semaphore, #tpu.memory_space<semaphore_mem>>) src(%dma_wait3A_595 : memref<8x4096xf32, #tpu.memory_space<hbm>>) dst(%dma_wait3A_591 : memref<8x4096xf32, #tpu.memory_space<vmem>>)
      %dma_start3A_596 = arith.constant 1 : i32
      %dma_start3A_597 = arith.constant 0 : i32
      %dma_start3A_598 = arith.constant 0 : i32
      %dma_start3A_599 = tpu.memref_slice %arg4[%dma_start3A_596, %dma_start3A_597, %dma_start3A_598] : memref<2x8x4096xf32, #tpu.memory_space<vmem>> -> memref<1x8x4096xf32, #tpu.memory_space<vmem>>
      %dma_start3A_600 = tpu.memref_squeeze %dma_start3A_599 : memref<1x8x4096xf32, #tpu.memory_space<vmem>> -> memref<8x4096xf32, #tpu.memory_space<vmem>>
      %dma_start3A_601 = arith.constant 56 : i32
      %dma_start3A_602 = arith.constant 0 : i32
      %dma_start3A_603 = tpu.memref_slice %arg3[%add3A, %dma_start3A_601, %dma_start3A_602] : memref<26x64x4096xf32, #tpu.memory_space<hbm>> -> memref<1x8x4096xf32, #tpu.memory_space<hbm>>
      %dma_start3A_604 = tpu.memref_squeeze %dma_start3A_603 : memref<1x8x4096xf32, #tpu.memory_space<hbm>> -> memref<8x4096xf32, #tpu.memory_space<hbm>>
      %dma_start3A_605 = arith.constant 56 : i32
      %dma_start3A_606 = arith.constant 0 : i32
      %dma_start3A_607 = tpu.memref_slice %arg3[%add3A, %dma_start3A_605, %dma_start3A_606] : memref<26x64x4096xf32, #tpu.memory_space<hbm>> -> memref<1x8x4096xf32, #tpu.memory_space<hbm>>
      %dma_start3A_608 = tpu.memref_squeeze %dma_start3A_607 : memref<1x8x4096xf32, #tpu.memory_space<hbm>> -> memref<8x4096xf32, #tpu.memory_space<hbm>>
      %dma_start3A_609 = arith.constant 0 : i32
      %dma_start3A_610 = arith.constant 0 : i32
      %dma_start3A_611 = tpu.memref_slice %arg4[%dma_start3A_596, %dma_start3A_609, %dma_start3A_610] : memref<2x8x4096xf32, #tpu.memory_space<vmem>> -> memref<1x8x4096xf32, #tpu.memory_space<vmem>>
      %dma_start3A_612 = tpu.memref_squeeze %dma_start3A_611 : memref<1x8x4096xf32, #tpu.memory_space<vmem>> -> memref<8x4096xf32, #tpu.memory_space<vmem>>
      tpu.enqueue_dma source(%dma_start3A_612 : memref<8x4096xf32, #tpu.memory_space<vmem>>) target(%dma_start3A_608 : memref<8x4096xf32, #tpu.memory_space<hbm>>) target_semaphore(%arg8 : memref<!tpu.dma_semaphore, #tpu.memory_space<semaphore_mem>>)
      %dma_wait3A_613 = arith.constant 0 : i32
      %dma_wait3A_614 = arith.constant 0 : i32
      %dma_wait3A_615 = arith.constant 0 : i32
      %dma_wait3A_616 = tpu.memref_slice %arg4[%dma_wait3A_613, %dma_wait3A_614, %dma_wait3A_615] : memref<2x8x4096xf32, #tpu.memory_space<vmem>> -> memref<1x8x4096xf32, #tpu.memory_space<vmem>>
      %dma_wait3A_617 = tpu.memref_squeeze %dma_wait3A_616 : memref<1x8x4096xf32, #tpu.memory_space<vmem>> -> memref<8x4096xf32, #tpu.memory_space<vmem>>
      %dma_wait3A_618 = arith.constant 48 : i32
      %dma_wait3A_619 = arith.constant 0 : i32
      %dma_wait3A_620 = tpu.memref_slice %arg3[%add3A, %dma_wait3A_618, %dma_wait3A_619] : memref<26x64x4096xf32, #tpu.memory_space<hbm>> -> memref<1x8x4096xf32, #tpu.memory_space<hbm>>
      %dma_wait3A_621 = tpu.memref_squeeze %dma_wait3A_620 : memref<1x8x4096xf32, #tpu.memory_space<hbm>> -> memref<8x4096xf32, #tpu.memory_space<hbm>>
      %dma_wait3A_622 = arith.constant 48 : i32
      %dma_wait3A_623 = arith.constant 0 : i32
      %dma_wait3A_624 = tpu.memref_slice %arg3[%add3A, %dma_wait3A_622, %dma_wait3A_623] : memref<26x64x4096xf32, #tpu.memory_space<hbm>> -> memref<1x8x4096xf32, #tpu.memory_space<hbm>>
      %dma_wait3A_625 = tpu.memref_squeeze %dma_wait3A_624 : memref<1x8x4096xf32, #tpu.memory_space<hbm>> -> memref<8x4096xf32, #tpu.memory_space<hbm>>
      %dma_wait3A_626 = arith.constant 0 : i32
      %dma_wait3A_627 = arith.constant 0 : i32
      %dma_wait3A_628 = tpu.memref_slice %arg4[%dma_wait3A_613, %dma_wait3A_626, %dma_wait3A_627] : memref<2x8x4096xf32, #tpu.memory_space<vmem>> -> memref<1x8x4096xf32, #tpu.memory_space<vmem>>
      %dma_wait3A_629 = tpu.memref_squeeze %dma_wait3A_628 : memref<1x8x4096xf32, #tpu.memory_space<vmem>> -> memref<8x4096xf32, #tpu.memory_space<vmem>>
      tpu.wait_dma2 semaphore(%arg7 : memref<!tpu.dma_semaphore, #tpu.memory_space<semaphore_mem>>) src(%dma_wait3A_629 : memref<8x4096xf32, #tpu.memory_space<vmem>>) dst(%dma_wait3A_625 : memref<8x4096xf32, #tpu.memory_space<hbm>>)
      %dma_wait3A_630 = arith.constant 1 : i32
      %dma_wait3A_631 = arith.constant 0 : i32
      %dma_wait3A_632 = arith.constant 0 : i32
      %dma_wait3A_633 = tpu.memref_slice %arg4[%dma_wait3A_630, %dma_wait3A_631, %dma_wait3A_632] : memref<2x8x4096xf32, #tpu.memory_space<vmem>> -> memref<1x8x4096xf32, #tpu.memory_space<vmem>>
      %dma_wait3A_634 = tpu.memref_squeeze %dma_wait3A_633 : memref<1x8x4096xf32, #tpu.memory_space<vmem>> -> memref<8x4096xf32, #tpu.memory_space<vmem>>
      %dma_wait3A_635 = arith.constant 56 : i32
      %dma_wait3A_636 = arith.constant 0 : i32
      %dma_wait3A_637 = tpu.memref_slice %arg3[%add3A, %dma_wait3A_635, %dma_wait3A_636] : memref<26x64x4096xf32, #tpu.memory_space<hbm>> -> memref<1x8x4096xf32, #tpu.memory_space<hbm>>
      %dma_wait3A_638 = tpu.memref_squeeze %dma_wait3A_637 : memref<1x8x4096xf32, #tpu.memory_space<hbm>> -> memref<8x4096xf32, #tpu.memory_space<hbm>>
      %dma_wait3A_639 = arith.constant 56 : i32
      %dma_wait3A_640 = arith.constant 0 : i32
      %dma_wait3A_641 = tpu.memref_slice %arg3[%add3A, %dma_wait3A_639, %dma_wait3A_640] : memref<26x64x4096xf32, #tpu.memory_space<hbm>> -> memref<1x8x4096xf32, #tpu.memory_space<hbm>>
      %dma_wait3A_642 = tpu.memref_squeeze %dma_wait3A_641 : memref<1x8x4096xf32, #tpu.memory_space<hbm>> -> memref<8x4096xf32, #tpu.memory_space<hbm>>
      %dma_wait3A_643 = arith.constant 0 : i32
      %dma_wait3A_644 = arith.constant 0 : i32
      %dma_wait3A_645 = tpu.memref_slice %arg4[%dma_wait3A_630, %dma_wait3A_643, %dma_wait3A_644] : memref<2x8x4096xf32, #tpu.memory_space<vmem>> -> memref<1x8x4096xf32, #tpu.memory_space<vmem>>
      %dma_wait3A_646 = tpu.memref_squeeze %dma_wait3A_645 : memref<1x8x4096xf32, #tpu.memory_space<vmem>> -> memref<8x4096xf32, #tpu.memory_space<vmem>>
      tpu.wait_dma2 semaphore(%arg8 : memref<!tpu.dma_semaphore, #tpu.memory_space<semaphore_mem>>) src(%dma_wait3A_646 : memref<8x4096xf32, #tpu.memory_space<vmem>>) dst(%dma_wait3A_642 : memref<8x4096xf32, #tpu.memory_space<hbm>>)
    } else {
    }
    return
  }
}

</mosaic_0001>

<sc_bundles>
// kernel: kernel.3.cloned.1.call-start
scs
__scs_entry_jumppad:
0x0: {  	(pc) =	sbr.rel $0x88, $3  }
0x1: {  	(tag) =	ssettag $0x0;
	lr =	simm.s32 $0x1  }
0x2: {  	[smem:$0x3FA0] =	sst lr;
	_ =	strace $0xD0000000  }
0x3: {  	_ = 	snop  }
0x4: {  	_ = 	snop  }
0x5: {  	_ = 	snop  }
0x6: {  	_ = 	snop  }
0x7: {  	_ = 	snop  }
__scs_overlays_trampoline_lowered:
0x8: {  	[smem:$0x3FAF] =	sst s0  }
0x9: {  	[smem:$0x3FB0] =	sst s1  }
0xa: {  	[smem:$0x3FB1] =	sst s2  }
0xb: {  	[smem:$0x3FB2] =	sst s3  }
0xc: {  	[smem:$0x3FB3] =	sst s4  }
0xd: {  	[smem:$0x3FB4] =	sst s5  }
0xe: {  	[smem:$0x3FB5] =	sst s6  }
0xf: {  	[smem:$0x3FB6] =	sst s7  }
0x10: {  	[smem:$0x3FB7] =	sst s8  }
0x11: {  	[smem:$0x3FB8] =	sst s9;
	s0 =	simm.s32 @!p0 $0x0  }
0x12: {  	s1 =	sld [smem:$0x3F9E];
	s0 =	simm.s32 @p0 $0x1  }
0x13: {  	[smem:$0x3FB9] =	sst s0;
	s0 =	simm.s32 @!p1 $0x0  }
0x14: {  	s2 =	sld [smem:$0x3F9D];
	s0 =	simm.s32 @p1 $0x1  }
0x15: {  	[smem:$0x3FBA] =	sst s0;
	s0 =	simm.s32 @!p2 $0x0  }
0x16: {  	s3 =	sld [smem:$0x3FDB];
	s0 =	simm.s32 @p2 $0x1  }
0x17: {  	s4 =	simm.s32 $0x1BF5;
	[smem:$0x3FBC] =	sst s0  }
0x18: {  	s0 =	sld [smem:$0x3F9F];
	_ =	swait.ge [sflag:s4], $0x0  }
0x19: {  	s7 =	sld [smem:$0x3FA0]  }
0x1a: {  	s8 =	sadd.s32 $0xFFFFE003, lr  }
0x1b: {  	s9 =	sadd.s32 $0xFFFFFEF7, lr;
	s5 =	simm.s32 $0xFFFFFFFF;
	p2 =	slt.u32 s8, $0xFFFFF086  }
0x1c: {  	p1 =	slt.u32 s9, $0xF7A;
	s5 =	simm.s32 @!p2 $0x0  }
0x1d: {  	s5 =	simm.s32 @p1 $0x1;
	p0 =	seq.s32 s7, s2  }
0x1e: {  	s7 =	smul.u32 @!p0 $0xF7A, s2;
	p2 =	seq.s32 @!p0 s5, $0x0  }
0x1f: {  	s9 =	smul.u32 $0xF7A, s1;
	s8 =	simm.s32 @!p0 $0x1BF5;
	p2 =	por !p2, p0  }
0x20: {  	[sflag:s8] =	ssyncset.s32 @!p0 $0xFFFFF086;
	s6 =	sadd.s32 @!p0 s3, s7;
	s7 =	simm.s32 @!p0 $0x108  }
0x21: {  	s3 =	sadd.s32 s3, s9;
	s6 =	sadd.s32 @!p0 $0x88, s6;
	s7 =	simm.s32 @p2 $0x1082  }
0x22: {  	[simem:s7], [sflag:s8] =	dma.local @!p0 [hbm:s6], $0xF7A  }
0x23: {  	s9 =	sor.u32 $0xD0000000, s2;
	s6 =	simm.s32 $0x108;
	_ =	swait.ge @!p0 [sflag:s8], $0x0  }
0x24: {  	s3 =	sadd.s32 $0x88, s3;
	s6 =	simm.s32 @!p1 $0x1082;
	[sflag:s4] =	ssyncset.s32 $0xFFFFF086  }
0x25: {  	[simem:s6], [sflag:s4] =	dma.local [hbm:s3], $0xF7A  }
0x26: {  	[smem:$0x3FA0] =	sst s1;
	(tag) =	ssettag s2;
	_ =	strace s9  }
0x27: {  	s1 =	sld [smem:$0x3FB0]  }
0x28: {  	s2 =	sld [smem:$0x3FB1]  }
0x29: {  	s4 =	sld [smem:$0x3FB3]  }
0x2a: {  	p0 =	seq.s32 s5, $0x0;
	s5 =	sld [smem:$0x3FB4]  }
0x2b: {  	s6 =	sld [smem:$0x3FB5]  }
0x2c: {  	s7 =	sld [smem:$0x3FB6]  }
0x2d: {  	s3 =	simm.s32 $0x108;
	s8 =	sld [smem:$0x3FB7]  }
0x2e: {  	s3 =	simm.s32 @!p0 $0x1082;
	s9 =	sld [smem:$0x3FB8]  }
0x2f: {  	lr =	sadd.s32 s0, s3;
	s0 =	sld [smem:$0x3FAF]  }
0x30: {  	s3 =	sld [smem:$0x3FB2]  }
0x31: {  	[smem:$0x3FBB] =	sst s10  }
0x32: {  	s10 =	sld [smem:$0x3FB9];
	_ =	sdelay $0x3  }
0x33: {  	p0 =	seq.s32 s10, $0x1;
	s10 =	sld [smem:$0x3FBB];
	_ =	sdelay $0x3  }
0x34: {  	[smem:$0x3FBB] =	sst s10  }
0x35: {  	s10 =	sld [smem:$0x3FBA];
	_ =	sdelay $0x3  }
0x36: {  	p1 =	seq.s32 s10, $0x1;
	s10 =	sld [smem:$0x3FBB];
	_ =	sdelay $0x3  }
0x37: {  	[smem:$0x3FBB] =	sst s10  }
0x38: {  	s10 =	sld [smem:$0x3FBC]  }
0x39: {  	_ = 	snop;
	(pc) =	sbr.ind lr, $3  }
0x3a: {  	_ = 	snop  }
0x3b: {  	_ = 	snop  }
0x3c: {  	p2 =	seq.s32 s10, $0x1;
	s10 =	sld [smem:$0x3FBB]  }
0x3d: {  	_ =	shalt  }
0x3e: {  	_ =	shalt  }
0x3f: {  	_ =	shalt  }
0x40: {  	_ =	shalt  }
0x41: {  	_ =	shalt  }
0x42: {  	_ =	shalt  }
0x43: {  	_ =	shalt  }
0x44: {  	_ =	shalt  }
0x45: {  	_ =	shalt  }
0x46: {  	_ =	shalt  }
0x47: {  	_ =	shalt  }
0x48: {  	_ =	shalt  }
0x49: {  	_ =	shalt  }
0x4a: {  	_ =	shalt  }
0x4b: {  	_ =	shalt  }
0x4c: {  	_ =	shalt  }
0x4d: {  	_ =	shalt  }
0x4e: {  	_ =	shalt  }
0x4f: {  	_ =	shalt  }
0x50: {  	_ =	shalt  }
0x51: {  	_ =	shalt  }
0x52: {  	_ =	shalt  }
0x53: {  	_ =	shalt  }
0x54: {  	_ =	shalt  }
0x55: {  	_ =	shalt  }
0x56: {  	_ =	shalt  }
0x57: {  	_ =	shalt  }
0x58: {  	_ =	shalt  }
0x59: {  	_ =	shalt  }
0x5a: {  	_ =	shalt  }
0x5b: {  	_ =	shalt  }
0x5c: {  	_ =	shalt  }
0x5d: {  	_ =	shalt  }
0x5e: {  	_ =	shalt  }
0x5f: {  	_ =	shalt  }
0x60: {  	_ =	shalt  }
0x61: {  	_ =	shalt  }
0x62: {  	_ =	shalt  }
0x63: {  	_ =	shalt  }
0x64: {  	_ =	shalt  }
0x65: {  	_ =	shalt  }
0x66: {  	_ =	shalt  }
0x67: {  	_ =	shalt  }
0x68: {  	_ =	shalt  }
0x69: {  	_ =	shalt  }
0x6a: {  	_ =	shalt  }
0x6b: {  	_ =	shalt  }
0x6c: {  	_ =	shalt  }
0x6d: {  	_ =	shalt  }
0x6e: {  	_ =	shalt  }
0x6f: {  	_ =	shalt  }
0x70: {  	_ =	shalt  }
0x71: {  	_ =	shalt  }
0x72: {  	_ =	shalt  }
0x73: {  	_ =	shalt  }
0x74: {  	_ =	shalt  }
0x75: {  	_ =	shalt  }
0x76: {  	_ =	shalt  }
0x77: {  	_ =	shalt  }
0x78: {  	_ =	shalt  }
0x79: {  	_ =	shalt  }
0x7a: {  	_ =	shalt  }
0x7b: {  	_ =	shalt  }
0x7c: {  	_ =	shalt  }
0x7d: {  	_ =	shalt  }
0x7e: {  	_ =	shalt  }
0x7f: {  	_ =	shalt  }
0x80: {  	_ =	shalt  }
0x81: {  	_ =	shalt  }
0x82: {  	_ =	shalt  }
0x83: {  	_ =	shalt  }
0x84: {  	_ =	shalt  }
0x85: {  	_ =	shalt  }
0x86: {  	_ =	shalt  }
0x87: {  	_ =	shalt  }
.Lfunc_end0:
.L_simem_size_0:
called_computation_lowered:
.L_overlay_start_0:
0x88: {  	s2 =	sld [smem:$0x3FD9]  }
0x89: {  	s3 =	sld [smem:$0x3FFE];
	_ =	sdelay $0x1  }
0x8a: {  	s1 =	srdreg.scid  }
0x8b: {  	s0 =	sand.u32 $0x1, s1  }
0x8c: {  	s18 =	sshll.u32 s0, $0xA;
	s2 =	sadd.s32 s3, s2  }
0x8d: {  	s2 =	sadd.s32 s2, s18  }
0x8e: {  	[smem:$0x3FC7] =	sst s2  }
0x8f: {  	_ = 	snop  }
0x90: {  	s2 =	sld [smem:$0x3FC9]  }
0x91: {  	s19 =	sld [smem:$0x3FD0];
	(tm) =	ssettm $0x1  }
0x92: {  	s4 =	sld [smem:$0x3FFB];
	_ =	sdelay $0x3  }
0x93: {  	_ =	strace s4  }
0x94: {  	s4 =	sld [smem:$0x3FFC];
	_ =	sdelay $0x3  }
0x95: {  	_ =	strace s4  }
0x96: {  	s4 =	sld [smem:$0x3FFD];
	_ =	sdelay $0x3  }
0x97: {  	_ =	strace s4  }
0x98: {  	_ =	strace $0x8FFFFFFF  }
0x99: {  	s20 =	sld [smem:$0x3FDB];
	_ =	sdelay $0x1  }
0x9a: {  	s5 =	simm.s32 $_scs_section_size  }
0x9b: {  	s6 =	simm.s32 $_size__tile_overlayer_lowered;
	s7 =	simm.s32 $_tile_overlayer_lowered  }
0x9c: {  	s23 =	simm.s32 $0x1BFF;
	s22 =	sshll.u32 s7, $0x1;
	s4 =	sadd.s32 s5, s20  }
0x9d: {  	s8 =	simm.s32 $0x0;
	s21 =	sshll.u32 s6, $0x1;
	s6 =	sadd.s32 s22, s4  }
0x9e: {  	[timem:s8], [sflag:s23] =	dma.local [hbm:s6], s21  }
0x9f: {  	_ =	swait.ge [sflag:s23], s21  }
0xa0: {  	s5 =	ssub.s32 $0x0, s21;
	[sflag:s23] =	ssyncset.done $0x0  }
0xa1: {  	[sflag:s23] =	ssyncadd.s32 s5;
	_ =	sdelay $0x1  }
0xa2: {  	s24 =	simm.s32 $0x1B8B  }
0xa3: {  	_ =	swait.ge [sflag:s24], $0x1  }
0xa4: {  	[sflag:s24] =	ssyncset.done $0x0  }
0xa5: {  	s25 =	simm.s32 $0x1B8E;
	[sflag:s24] =	ssyncadd.s32 $0xFFFFFFFF  }
0xa6: {  	s26 =	simm.s32 $execute0_lowered;
	[smem:$0x3FD2] =	sst s25  }
0xa7: {  	s5 =	sshll.u32 s26, $0x1;
	_ =	strace $0x80000046;
	[dreg:$0x1] =	wrdreg $0xFFFFFFFF  }
0xa8: {  	s28 =	simm.s32 $_size_execute0_lowered;
	s4 =	sadd.s32 s4, s5;
	[dreg:$0x0] =	wrdreg $0x0  }
0xa9: {  	s5 =	sshll.u32 s28, $0x1;
	[dreg:$0x2] =	wrdreg s4  }
0xaa: {  	[dreg:$0x3] =	wrdreg s5  }
0xab: {  	[dreg:$0x4] =	wrdreg $0xC0  }
0xac: {  	_ =	task [dreg:s8], $0x5FFFF  }
0xad: {  	[dreg:$0x1] =	wrdreg $0xFFFFFFFF  }
0xae: {  	[dreg:$0x0] =	wrdreg $0x60  }
0xaf: {  	[dreg:$0x2] =	wrdreg s2  }
0xb0: {  	[dreg:$0x3] =	wrdreg s19  }
0xb1: {  	[dreg:$0x4] =	wrdreg $0x9  }
0xb2: {  	_ =	task.clear_ibuf [dreg:s8], $0x5FFFF;
	_ =	strace $0x90000046  }
0xb3: {  	s29 =	simm.s32 $0x9;
	_ =	strace $0x80000048  }
0xb4: {  	_ =	swait.ge [sflag:s29], $0x1  }
0xb5: {  	[sflag:s29] =	ssyncadd.s32 $0xFFFFFFFF  }
0xb6: {  	_ =	strace $0x90000048  }
0xb7: {  	_ =	sfence  }
0xb8: {  	s30 =	sld [smem:$0x0];
	_ =	sdelay $0x2  }
0xb9: {  	s31 =	sshll.u32 s1, $0xD;
	s1 =	sshrl.u32 s1, $0x2  }
0xba: {  	s3 =	sand.u32 $0x4000, s31;
	s1 =	sadd.s32 s1, s30  }
0xbb: {  	s0 =	sor.u32 s3, s0;
	s1 =	sshll.u32 s1, $0x11  }
0xbc: {  	s0 =	sor.u32 s1, s0  }
0xbd: {  	s0 =	sadd.s32 $0x8F2B, s0  }
0xbe: {  	[sflag:s0] =	ssyncadd.remote.s32 $0x1  }
0xbf: {  	_ =	sfence.sel $0xFFFF  }
0xc0: {  	[dreg:$0x0] =	wrdreg $0xFFFFFFFF;
	(pc) =	sbr.abs _section_cstart, $3  }
0xc1: {  	[dreg:$0x1] =	wrdreg $0xFFFFFFFF  }
0xc2: {  	_ =	task.clear_ibuf [dreg:s8], $0x2FFFF;
	_ =	strace $0x9FFFFFFF  }
0xc3: {  	(tm) =	ssettm $0x7FFFFFFF  }
tec
execute0_lowered:
.L_overlay_start_1:
0x0: {  	(tag) =	ssettag $0x1  }
0x1: {  	s1 =	stileid.u32  }
0x2: {  	p0 =	sgt.u32 s1, $0xC  }
.Ltmp0:
0x3: {  	_ = 	snop;
	(pc) =	sbr.rel @p0 .LBB2_5-.Ltmp0, $4  }
0x4: {  	s6 =	rddreg [dreg:$0x0]  }
0x5: {  	s5 =	rddreg [dreg:$0x1];
	s2 =	simm.s32 $0x0  }
0x6: {  	[smem:$0x7FF] =	sst s2  }
0x7: {  	s0 =	rddreg [dreg:$0x2];
	_ =	strace $0x80000047  }
0x8: {  	s3 =	srdreg.scid  }
0x9: {  	s4 =	sshll.u32 s1, $0x1;
	s3 =	sand.u32 $0x1, s3  }
0xa: {  	s7 =	sor.u32 s3, s4  }
0xb: {  	s4 =	simm.s32 $0x80000;
	p0 =	seq.s32 s7, $0x0  }
0xc: {  	s4 =	simm.s32 @!p0 $0x0;
	p0 =	seq.s32 s7, $0x1  }
0xd: {  	s4 =	simm.s32 @p0 $0x140000;
	p0 =	seq.s32 s7, $0x2  }
0xe: {  	s4 =	simm.s32 @p0 $0x1C0000;
	p0 =	seq.s32 s7, $0x3  }
0xf: {  	s4 =	simm.s32 @p0 $0x2C0000;
	p0 =	seq.s32 s7, $0x4  }
0x10: {  	s4 =	simm.s32 @p0 $0x340000;
	p0 =	seq.s32 s7, $0x5  }
0x11: {  	s4 =	simm.s32 @p0 $0x440000;
	p0 =	seq.s32 s7, $0x6  }
0x12: {  	s4 =	simm.s32 @p0 $0x4C0000;
	p0 =	seq.s32 s7, $0x7  }
0x13: {  	s4 =	simm.s32 @p0 $0x5C0000;
	p0 =	seq.s32 s7, $0x8  }
0x14: {  	s4 =	simm.s32 @p0 $0x740000;
	p0 =	seq.s32 s7, $0x9  }
0x15: {  	s4 =	simm.s32 @p0 $0x7C0000;
	p0 =	seq.s32 s7, $0xA  }
0x16: {  	s4 =	simm.s32 @p0 $0x940000;
	p0 =	seq.s32 s7, $0xB  }
0x17: {  	s4 =	simm.s32 @p0 $0xA40000;
	p0 =	seq.s32 s7, $0xC  }
0x18: {  	s4 =	simm.s32 @p0 $0xAC0000;
	p0 =	seq.s32 s7, $0xD  }
0x19: {  	s4 =	simm.s32 @p0 $0xBC0000;
	p0 =	seq.s32 s7, $0xE  }
0x1a: {  	s4 =	simm.s32 @p0 $0xD40000;
	p0 =	seq.s32 s7, $0xF  }
0x1b: {  	s4 =	simm.s32 @p0 $0xEC0000;
	p0 =	seq.s32 s7, $0x10  }
0x1c: {  	s4 =	simm.s32 @p0 $0xF40000;
	p0 =	seq.s32 s7, $0x11  }
0x1d: {  	s4 =	simm.s32 @p0 $0x10C0000;
	p0 =	seq.s32 s7, $0x12  }
0x1e: {  	s4 =	simm.s32 @p0 $0x11C0000;
	p0 =	seq.s32 s7, $0x13  }
0x1f: {  	s4 =	simm.s32 @p0 $0x1240000;
	p0 =	seq.s32 s7, $0x14  }
0x20: {  	s4 =	simm.s32 @p0 $0x13C0000;
	p0 =	seq.s32 s7, $0x15  }
0x21: {  	s4 =	simm.s32 @p0 $0x14C0000;
	p0 =	seq.s32 s7, $0x16  }
0x22: {  	s4 =	simm.s32 @p0 $0x1640000;
	p0 =	seq.s32 s7, $0x17  }
0x23: {  	s3 =	ssub.s32 $0x2, s3;
	s4 =	simm.s32 @p0 $0x16C0000;
	p0 =	seq.s32 s7, $0x18  }
0x24: {  	s4 =	simm.s32 @p0 $0x17C0000;
	p0 =	seq.s32 s7, $0x19;
	s7 =	sshll.u32 s7, $0xF  }
0x25: {  	s30 =	sshrl.u32 s3, $0x1;
	s9 =	sadd.s32 s5, s7  }
0x26: {  	s3 =	ssub.s32 s3, s30;
	s5 =	sld [smem:$0x7FF];
	s17 =	sadd.s32 $0x1000, s9  }
0x27: {  	s31 =	smax.u32 s3, $0x1;
	s19 =	sadd.s32 $0x2000, s9;
	[dreg:$0x5] =	wrdreg s17  }
0x28: {  	s3 =	simm.s32 $0x3;
	s21 =	sadd.s32 $0x3000, s9;
	[dreg:$0x7] =	wrdreg s19  }
0x29: {  	s11 =	sadd.s32 $0xFFFFFFFF, s31;
	s23 =	sadd.s32 $0x4000, s9;
	[dreg:$0x9] =	wrdreg s21  }
0x2a: {  	s4 =	simm.s32 @p0 $0x1840000;
	s25 =	sadd.s32 $0x5000, s9;
	[dreg:$0xb] =	wrdreg s23  }
0x2b: {  	s8 =	sshrl.u32 s4, $0x3;
	s28 =	sadd.s32 $0x6000, s9;
	[dreg:$0xd] =	wrdreg s25  }
0x2c: {  	s29 =	sadd.s32 $0x7000, s9;
	s10 =	sadd.s32 s6, s8;
	[dreg:$0xf] =	wrdreg s28  }
0x2d: {  	p2 =	sne.s32 s11, $0x0;
	[dreg:$0x10] =	wrdreg s29;
	s6 =	sadd.s32 $0x1000, s10  }
0x2e: {  	s7 =	simm.s32 $0x1;
	s16 =	sadd.s32 $0x2000, s10;
	[dreg:$0x3] =	wrdreg s6  }
0x2f: {  	s4 =	sand.u32 $0x7, s4;
	s18 =	sadd.s32 $0x3000, s10;
	[dreg:$0x4] =	wrdreg s16  }
0x30: {  	s8 =	sadd.s32 $0x3FEA, s1;
	s20 =	sadd.s32 $0x4000, s10;
	[dreg:$0x6] =	wrdreg s18  }
.Ltmp1:
0x31: {  	s22 =	sadd.s32 $0x5000, s10;
	[dreg:$0x8] =	wrdreg s20;
	(pc) =	sbr.rel @!p2 .LBB2_4-.Ltmp1, $4  }
0x32: {  	p0 =	seq.s32 s4, $0x0;
	s24 =	sadd.s32 $0x6000, s10;
	[dreg:$0xa] =	wrdreg s22  }
0x33: {  	s4 =	simm.s32 $0x8000;
	s26 =	sadd.s32 $0x7000, s10;
	[dreg:$0xc] =	wrdreg s24  }
0x34: {  	p1 =	sne.s32 @!p0 s5, $0x1;
	s5 =	simm.s32 $0x4;
	[dreg:$0xe] =	wrdreg s26  }
0x35: {  	s6 =	simm.s32 $0x2;
	p3 =	por !p1, p0;
	p1 =	por $0x0, $0x0  }
0x36: {  	s12 =	sor.u32 @!p3 $0x100000, s8  }
0x37: {  	[smem:s12], [sflag:$0x0] =	smem.add.s32 @!p3 $0x9B;
	s12 =	simm.s32 @!p3 $0x0  }
0x38: {  	s13 =	simm.s32 @!p3 $0x1;
	_ =	swait.done @!p3 [sflag:s12]  }
0x39: {  	[smem:$0x7FF] =	sst @!p3 s13  }
0x3a: {  	_ =	sint @!p3 $0x2  }
0x3b: {  	_ =	swait.notdone @!p3 [sflag:s12]  }
0x3c: {  	s12 =	sld [smem:$0x7FF];
	_ =	sdelay $0x1  }
0x3d: {  	[tilespmem:s2], [sflag:$0x1] =	stream.linear.gather [hbm4b:s10+s2], $0x8000, $0x38;
	[tilespmem:$0x10000] =	vst v63  }
0x3e: {  	p1 =	sne.s32 @!p0 s12, $0x1  }
0x3f: {  	p1 =	por !p1, p0  }
0x40: {  	s12 =	sor.u32 @!p1 $0x100000, s8  }
0x41: {  	[smem:s12], [sflag:$0x0] =	smem.add.s32 @!p1 $0x9D;
	s12 =	simm.s32 @!p1 $0x0  }
0x42: {  	s13 =	simm.s32 @!p1 $0x1;
	_ =	swait.done @!p1 [sflag:s12]  }
0x43: {  	[smem:$0x7FF] =	sst @!p1 s13  }
0x44: {  	_ =	sint @!p1 $0x2  }
0x45: {  	_ =	swait.notdone @!p1 [sflag:s12]  }
0x46: {  	s12 =	rddreg [dreg:$0x3]  }
0x47: {  	[tilespmem:s4], [sflag:$0x2] =	stream.linear.gather [hbm4b:s12+s2], $0x8000, $0x38;
	[tilespmem:$0x10000] =	vst v63  }
0x48: {  	_ =	swait.ge [sflag:s7], $0x8000  }
0x49: {  	[sflag:s7] =	ssyncset.done $0x0  }
0x4a: {  	[sflag:s7] =	ssyncadd.s32 $0xFFFF8000  }
0x4b: {  	[hbm4b:s9+s2] =	stream.linear.scatter [tilespmem:s2], [sflag:$0x3], $0x8000, $0x38;
	[tilespmem:$0x10000] =	vst v63  }
0x4c: {  	_ =	swait.ge [sflag:s3], $0x8000  }
0x4d: {  	s12 =	sld [smem:$0x7FF];
	_ =	sdelay $0x2  }
0x4e: {  	p1 =	sne.s32 @!p0 s12, $0x1  }
0x4f: {  	[sflag:s3] =	ssyncset.done $0x0;
	p1 =	por !p1, p0  }
0x50: {  	[sflag:s3] =	ssyncadd.s32 $0xFFFF8000;
	s12 =	sor.u32 @!p1 $0x100000, s8  }
0x51: {  	[smem:s12], [sflag:$0x0] =	smem.add.s32 @!p1 $0xA5;
	s12 =	simm.s32 @!p1 $0x0  }
0x52: {  	s13 =	simm.s32 @!p1 $0x1;
	_ =	swait.done @!p1 [sflag:s12]  }
0x53: {  	[smem:$0x7FF] =	sst @!p1 s13  }
0x54: {  	_ =	sint @!p1 $0x2  }
0x55: {  	_ =	swait.notdone @!p1 [sflag:s12]  }
0x56: {  	s12 =	rddreg [dreg:$0x4]  }
0x57: {  	[tilespmem:s2], [sflag:$0x1] =	stream.linear.gather [hbm4b:s12+s2], $0x8000, $0x38;
	[tilespmem:$0x10000] =	vst v63  }
0x58: {  	_ =	swait.ge [sflag:s6], $0x8000  }
0x59: {  	[sflag:s6] =	ssyncset.done $0x0  }
0x5a: {  	s24 =	rddreg [dreg:$0x5];
	[sflag:s6] =	ssyncadd.s32 $0xFFFF8000  }
0x5b: {  	[hbm4b:s24+s2] =	stream.linear.scatter [tilespmem:s4], [sflag:$0x4], $0x8000, $0x38;
	[tilespmem:$0x10000] =	vst v63  }
0x5c: {  	_ =	swait.ge [sflag:s5], $0x8000  }
0x5d: {  	s12 =	sld [smem:$0x7FF];
	_ =	sdelay $0x2  }
0x5e: {  	p1 =	sne.s32 @!p0 s12, $0x1  }
0x5f: {  	[sflag:s5] =	ssyncset.done $0x0;
	p1 =	por !p1, p0  }
0x60: {  	[sflag:s5] =	ssyncadd.s32 $0xFFFF8000;
	s12 =	sor.u32 @!p1 $0x100000, s8  }
0x61: {  	[smem:s12], [sflag:$0x0] =	smem.add.s32 @!p1 $0xAD;
	s12 =	simm.s32 @!p1 $0x0  }
0x62: {  	s13 =	simm.s32 @!p1 $0x1;
	_ =	swait.done @!p1 [sflag:s12]  }
0x63: {  	[smem:$0x7FF] =	sst @!p1 s13  }
0x64: {  	_ =	sint @!p1 $0x2  }
0x65: {  	_ =	swait.notdone @!p1 [sflag:s12]  }
0x66: {  	s12 =	rddreg [dreg:$0x6]  }
0x67: {  	[tilespmem:s4], [sflag:$0x2] =	stream.linear.gather [hbm4b:s12+s2], $0x8000, $0x38;
	[tilespmem:$0x10000] =	vst v63  }
0x68: {  	_ =	swait.ge [sflag:s7], $0x8000  }
0x69: {  	[sflag:s7] =	ssyncset.done $0x0  }
0x6a: {  	s25 =	rddreg [dreg:$0x7];
	[sflag:s7] =	ssyncadd.s32 $0xFFFF8000  }
0x6b: {  	[hbm4b:s25+s2] =	stream.linear.scatter [tilespmem:s2], [sflag:$0x3], $0x8000, $0x38;
	[tilespmem:$0x10000] =	vst v63  }
0x6c: {  	_ =	swait.ge [sflag:s3], $0x8000  }
0x6d: {  	s12 =	sld [smem:$0x7FF];
	_ =	sdelay $0x2  }
0x6e: {  	p1 =	sne.s32 @!p0 s12, $0x1  }
0x6f: {  	[sflag:s3] =	ssyncset.done $0x0;
	p1 =	por !p1, p0  }
0x70: {  	[sflag:s3] =	ssyncadd.s32 $0xFFFF8000;
	s12 =	sor.u32 @!p1 $0x100000, s8  }
0x71: {  	[smem:s12], [sflag:$0x0] =	smem.add.s32 @!p1 $0xB5;
	s12 =	simm.s32 @!p1 $0x0  }
0x72: {  	s13 =	simm.s32 @!p1 $0x1;
	_ =	swait.done @!p1 [sflag:s12]  }
0x73: {  	[smem:$0x7FF] =	sst @!p1 s13  }
0x74: {  	_ =	sint @!p1 $0x2  }
0x75: {  	_ =	swait.notdone @!p1 [sflag:s12]  }
0x76: {  	s12 =	rddreg [dreg:$0x8]  }
0x77: {  	[tilespmem:s2], [sflag:$0x1] =	stream.linear.gather [hbm4b:s12+s2], $0x8000, $0x38;
	[tilespmem:$0x10000] =	vst v63  }
0x78: {  	_ =	swait.ge [sflag:s6], $0x8000  }
0x79: {  	[sflag:s6] =	ssyncset.done $0x0  }
0x7a: {  	s26 =	rddreg [dreg:$0x9];
	[sflag:s6] =	ssyncadd.s32 $0xFFFF8000  }
0x7b: {  	[hbm4b:s26+s2] =	stream.linear.scatter [tilespmem:s4], [sflag:$0x4], $0x8000, $0x38;
	[tilespmem:$0x10000] =	vst v63  }
0x7c: {  	_ =	swait.ge [sflag:s5], $0x8000  }
0x7d: {  	s12 =	sld [smem:$0x7FF];
	_ =	sdelay $0x2  }
0x7e: {  	p1 =	sne.s32 @!p0 s12, $0x1  }
0x7f: {  	[sflag:s5] =	ssyncset.done $0x0;
	p1 =	por !p1, p0  }
0x80: {  	[sflag:s5] =	ssyncadd.s32 $0xFFFF8000;
	s12 =	sor.u32 @!p1 $0x100000, s8  }
0x81: {  	[smem:s12], [sflag:$0x0] =	smem.add.s32 @!p1 $0xBD;
	s12 =	simm.s32 @!p1 $0x0  }
0x82: {  	s13 =	simm.s32 @!p1 $0x1;
	_ =	swait.done @!p1 [sflag:s12]  }
0x83: {  	[smem:$0x7FF] =	sst @!p1 s13  }
0x84: {  	_ =	sint @!p1 $0x2  }
0x85: {  	_ =	swait.notdone @!p1 [sflag:s12]  }
0x86: {  	s12 =	rddreg [dreg:$0xa]  }
0x87: {  	[tilespmem:s4], [sflag:$0x2] =	stream.linear.gather [hbm4b:s12+s2], $0x8000, $0x38;
	[tilespmem:$0x10000] =	vst v63  }
0x88: {  	_ =	swait.ge [sflag:s7], $0x8000  }
0x89: {  	[sflag:s7] =	ssyncset.done $0x0  }
0x8a: {  	s28 =	rddreg [dreg:$0xb];
	[sflag:s7] =	ssyncadd.s32 $0xFFFF8000  }
0x8b: {  	[hbm4b:s28+s2] =	stream.linear.scatter [tilespmem:s2], [sflag:$0x3], $0x8000, $0x38;
	[tilespmem:$0x10000] =	vst v63  }
0x8c: {  	_ =	swait.ge [sflag:s3], $0x8000  }
0x8d: {  	s12 =	sld [smem:$0x7FF];
	_ =	sdelay $0x2  }
0x8e: {  	p1 =	sne.s32 @!p0 s12, $0x1  }
0x8f: {  	[sflag:s3] =	ssyncset.done $0x0;
	p1 =	por !p1, p0  }
0x90: {  	[sflag:s3] =	ssyncadd.s32 $0xFFFF8000;
	s12 =	sor.u32 @!p1 $0x100000, s8  }
0x91: {  	[smem:s12], [sflag:$0x0] =	smem.add.s32 @!p1 $0xC5;
	s12 =	simm.s32 @!p1 $0x0  }
0x92: {  	s13 =	simm.s32 @!p1 $0x1;
	_ =	swait.done @!p1 [sflag:s12]  }
0x93: {  	[smem:$0x7FF] =	sst @!p1 s13  }
0x94: {  	_ =	sint @!p1 $0x2  }
0x95: {  	_ =	swait.notdone @!p1 [sflag:s12]  }
0x96: {  	s12 =	rddreg [dreg:$0xc]  }
0x97: {  	[tilespmem:s2], [sflag:$0x1] =	stream.linear.gather [hbm4b:s12+s2], $0x8000, $0x38;
	[tilespmem:$0x10000] =	vst v63  }
0x98: {  	_ =	swait.ge [sflag:s6], $0x8000  }
0x99: {  	[sflag:s6] =	ssyncset.done $0x0  }
0x9a: {  	s29 =	rddreg [dreg:$0xd];
	[sflag:s6] =	ssyncadd.s32 $0xFFFF8000  }
0x9b: {  	[hbm4b:s29+s2] =	stream.linear.scatter [tilespmem:s4], [sflag:$0x4], $0x8000, $0x38;
	[tilespmem:$0x10000] =	vst v63  }
0x9c: {  	_ =	swait.ge [sflag:s5], $0x8000  }
0x9d: {  	s12 =	sld [smem:$0x7FF];
	_ =	sdelay $0x2  }
0x9e: {  	p1 =	sne.s32 @!p0 s12, $0x1  }
0x9f: {  	[sflag:s5] =	ssyncset.done $0x0;
	p1 =	por !p1, p0  }
0xa0: {  	[sflag:s5] =	ssyncadd.s32 $0xFFFF8000;
	s12 =	sor.u32 @!p1 $0x100000, s8  }
0xa1: {  	[smem:s12], [sflag:$0x0] =	smem.add.s32 @!p1 $0xCD;
	s12 =	simm.s32 @!p1 $0x0  }
0xa2: {  	s13 =	simm.s32 @!p1 $0x1;
	_ =	swait.done @!p1 [sflag:s12]  }
0xa3: {  	[smem:$0x7FF] =	sst @!p1 s13  }
0xa4: {  	_ =	sint @!p1 $0x2  }
0xa5: {  	_ =	swait.notdone @!p1 [sflag:s12]  }
0xa6: {  	s12 =	rddreg [dreg:$0xe]  }
0xa7: {  	[tilespmem:s4], [sflag:$0x2] =	stream.linear.gather [hbm4b:s12+s2], $0x8000, $0x38;
	[tilespmem:$0x10000] =	vst v63  }
0xa8: {  	_ =	swait.ge [sflag:s7], $0x8000  }
0xa9: {  	[sflag:s7] =	ssyncset.done $0x0  }
0xaa: {  	s30 =	rddreg [dreg:$0xf];
	[sflag:s7] =	ssyncadd.s32 $0xFFFF8000  }
0xab: {  	[hbm4b:s30+s2] =	stream.linear.scatter [tilespmem:s2], [sflag:$0x3], $0x8000, $0x38;
	[tilespmem:$0x10000] =	vst v63  }
0xac: {  	_ =	swait.ge [sflag:s6], $0x8000  }
0xad: {  	s11 =	sadd.s32 $0xFFFFFFFF, s11;
	[sflag:s6] =	ssyncset.done $0x0  }
0xae: {  	p2 =	sne.s32 s11, $0x0;
	s31 =	rddreg [dreg:$0x10];
	[sflag:s6] =	ssyncadd.s32 $0xFFFF8000  }
0xaf: {  	[hbm4b:s31+s2] =	stream.linear.scatter [tilespmem:s4], [sflag:$0x4], $0x8000, $0x38;
	[tilespmem:$0x10000] =	vst v63  }
.Ltmp2:
0xb0: {  	s12 =	sld [smem:$0x7FF];
	_ =	swait.ge [sflag:s3], $0x8000;
	(pc) =	sbr.rel @!p2 .LBB2_4-.Ltmp2, $4  }
0xb1: {  	[sflag:s3] =	ssyncset.done $0x0  }
0xb2: {  	[sflag:s3] =	ssyncadd.s32 $0xFFFF8000  }
0xb3: {  	p1 =	sne.s32 @!p0 s12, $0x1;
	_ =	swait.ge [sflag:s5], $0x8000  }
0xb4: {  	p3 =	por !p1, p0;
	p1 =	por $0x1, $0x1;
	[sflag:s5] =	ssyncset.done $0x0  }
.LBB2_3:
0xb5: {  	s12 =	sor.u32 @!p3 $0x100000, s8;
	[sflag:s5] =	ssyncadd.s32 $0xFFFF8000  }
0xb6: {  	[smem:s12], [sflag:$0x0] =	smem.add.s32 @!p3 $0x9B;
	s12 =	simm.s32 @!p3 $0x0  }
0xb7: {  	s13 =	simm.s32 @!p3 $0x1;
	_ =	swait.done @!p3 [sflag:s12]  }
0xb8: {  	[smem:$0x7FF] =	sst @!p3 s13  }
0xb9: {  	_ =	sint @!p3 $0x2  }
0xba: {  	_ =	swait.notdone @!p3 [sflag:s12]  }
0xbb: {  	s12 =	sld [smem:$0x7FF];
	_ =	sdelay $0x1  }
0xbc: {  	[tilespmem:s2], [sflag:$0x1] =	stream.linear.gather [hbm4b:s10+s2], $0x8000, $0x38;
	[tilespmem:$0x10000] =	vst v63  }
0xbd: {  	p3 =	sne.s32 @!p0 s12, $0x1  }
0xbe: {  	p3 =	por !p3, p0  }
0xbf: {  	s12 =	sor.u32 @!p3 $0x100000, s8  }
0xc0: {  	[smem:s12], [sflag:$0x0] =	smem.add.s32 @!p3 $0x9D;
	s12 =	simm.s32 @!p3 $0x0  }
0xc1: {  	s13 =	simm.s32 @!p3 $0x1;
	_ =	swait.done @!p3 [sflag:s12]  }
0xc2: {  	[smem:$0x7FF] =	sst @!p3 s13  }
0xc3: {  	_ =	sint @!p3 $0x2  }
0xc4: {  	_ =	swait.notdone @!p3 [sflag:s12]  }
0xc5: {  	s12 =	rddreg [dreg:$0x3]  }
0xc6: {  	[tilespmem:s4], [sflag:$0x2] =	stream.linear.gather [hbm4b:s12+s2], $0x8000, $0x38;
	[tilespmem:$0x10000] =	vst v63  }
0xc7: {  	_ =	swait.ge [sflag:s7], $0x8000  }
0xc8: {  	[sflag:s7] =	ssyncset.done $0x0  }
0xc9: {  	[sflag:s7] =	ssyncadd.s32 $0xFFFF8000  }
0xca: {  	[hbm4b:s9+s2] =	stream.linear.scatter [tilespmem:s2], [sflag:$0x3], $0x8000, $0x38;
	[tilespmem:$0x10000] =	vst v63  }
0xcb: {  	_ =	swait.ge [sflag:s3], $0x8000  }
0xcc: {  	s12 =	sld [smem:$0x7FF];
	_ =	sdelay $0x2  }
0xcd: {  	p3 =	sne.s32 @!p0 s12, $0x1  }
0xce: {  	[sflag:s3] =	ssyncset.done $0x0;
	p3 =	por !p3, p0  }
0xcf: {  	[sflag:s3] =	ssyncadd.s32 $0xFFFF8000;
	s12 =	sor.u32 @!p3 $0x100000, s8  }
0xd0: {  	[smem:s12], [sflag:$0x0] =	smem.add.s32 @!p3 $0xA5;
	s12 =	simm.s32 @!p3 $0x0  }
0xd1: {  	s13 =	simm.s32 @!p3 $0x1;
	_ =	swait.done @!p3 [sflag:s12]  }
0xd2: {  	[smem:$0x7FF] =	sst @!p3 s13  }
0xd3: {  	_ =	sint @!p3 $0x2  }
0xd4: {  	_ =	swait.notdone @!p3 [sflag:s12]  }
0xd5: {  	s12 =	rddreg [dreg:$0x4]  }
0xd6: {  	[tilespmem:s2], [sflag:$0x1] =	stream.linear.gather [hbm4b:s12+s2], $0x8000, $0x38;
	[tilespmem:$0x10000] =	vst v63  }
0xd7: {  	_ =	swait.ge [sflag:s6], $0x8000  }
0xd8: {  	[sflag:s6] =	ssyncset.done $0x0  }
0xd9: {  	s24 =	rddreg [dreg:$0x5];
	[sflag:s6] =	ssyncadd.s32 $0xFFFF8000  }
0xda: {  	[hbm4b:s24+s2] =	stream.linear.scatter [tilespmem:s4], [sflag:$0x4], $0x8000, $0x38;
	[tilespmem:$0x10000] =	vst v63  }
0xdb: {  	_ =	swait.ge [sflag:s5], $0x8000  }
0xdc: {  	s12 =	sld [smem:$0x7FF];
	_ =	sdelay $0x2  }
0xdd: {  	p3 =	sne.s32 @!p0 s12, $0x1  }
0xde: {  	[sflag:s5] =	ssyncset.done $0x0;
	p3 =	por !p3, p0  }
0xdf: {  	[sflag:s5] =	ssyncadd.s32 $0xFFFF8000;
	s12 =	sor.u32 @!p3 $0x100000, s8  }
0xe0: {  	[smem:s12], [sflag:$0x0] =	smem.add.s32 @!p3 $0xAD;
	s12 =	simm.s32 @!p3 $0x0  }
0xe1: {  	s13 =	simm.s32 @!p3 $0x1;
	_ =	swait.done @!p3 [sflag:s12]  }
0xe2: {  	[smem:$0x7FF] =	sst @!p3 s13  }
0xe3: {  	_ =	sint @!p3 $0x2  }
0xe4: {  	_ =	swait.notdone @!p3 [sflag:s12]  }
0xe5: {  	s12 =	rddreg [dreg:$0x6]  }
0xe6: {  	[tilespmem:s4], [sflag:$0x2] =	stream.linear.gather [hbm4b:s12+s2], $0x8000, $0x38;
	[tilespmem:$0x10000] =	vst v63  }
0xe7: {  	_ =	swait.ge [sflag:s7], $0x8000  }
0xe8: {  	[sflag:s7] =	ssyncset.done $0x0  }
0xe9: {  	s25 =	rddreg [dreg:$0x7];
	[sflag:s7] =	ssyncadd.s32 $0xFFFF8000  }
0xea: {  	[hbm4b:s25+s2] =	stream.linear.scatter [tilespmem:s2], [sflag:$0x3], $0x8000, $0x38;
	[tilespmem:$0x10000] =	vst v63  }
0xeb: {  	_ =	swait.ge [sflag:s3], $0x8000  }
0xec: {  	s12 =	sld [smem:$0x7FF];
	_ =	sdelay $0x2  }
0xed: {  	p3 =	sne.s32 @!p0 s12, $0x1  }
0xee: {  	[sflag:s3] =	ssyncset.done $0x0;
	p3 =	por !p3, p0  }
0xef: {  	[sflag:s3] =	ssyncadd.s32 $0xFFFF8000;
	s12 =	sor.u32 @!p3 $0x100000, s8  }
0xf0: {  	[smem:s12], [sflag:$0x0] =	smem.add.s32 @!p3 $0xB5;
	s12 =	simm.s32 @!p3 $0x0  }
0xf1: {  	s13 =	simm.s32 @!p3 $0x1;
	_ =	swait.done @!p3 [sflag:s12]  }
0xf2: {  	[smem:$0x7FF] =	sst @!p3 s13  }
0xf3: {  	_ =	sint @!p3 $0x2  }
0xf4: {  	_ =	swait.notdone @!p3 [sflag:s12]  }
0xf5: {  	s12 =	rddreg [dreg:$0x8]  }
0xf6: {  	[tilespmem:s2], [sflag:$0x1] =	stream.linear.gather [hbm4b:s12+s2], $0x8000, $0x38;
	[tilespmem:$0x10000] =	vst v63  }
0xf7: {  	_ =	swait.ge [sflag:s6], $0x8000  }
0xf8: {  	[sflag:s6] =	ssyncset.done $0x0  }
0xf9: {  	s26 =	rddreg [dreg:$0x9];
	[sflag:s6] =	ssyncadd.s32 $0xFFFF8000  }
0xfa: {  	[hbm4b:s26+s2] =	stream.linear.scatter [tilespmem:s4], [sflag:$0x4], $0x8000, $0x38;
	[tilespmem:$0x10000] =	vst v63  }
0xfb: {  	_ =	swait.ge [sflag:s5], $0x8000  }
0xfc: {  	s12 =	sld [smem:$0x7FF];
	_ =	sdelay $0x2  }
0xfd: {  	p3 =	sne.s32 @!p0 s12, $0x1  }
0xfe: {  	[sflag:s5] =	ssyncset.done $0x0;
	p3 =	por !p3, p0  }
0xff: {  	[sflag:s5] =	ssyncadd.s32 $0xFFFF8000;
	s12 =	sor.u32 @!p3 $0x100000, s8  }
0x100: {  	[smem:s12], [sflag:$0x0] =	smem.add.s32 @!p3 $0xBD;
	s12 =	simm.s32 @!p3 $0x0  }
0x101: {  	s13 =	simm.s32 @!p3 $0x1;
	_ =	swait.done @!p3 [sflag:s12]  }
0x102: {  	[smem:$0x7FF] =	sst @!p3 s13  }
0x103: {  	_ =	sint @!p3 $0x2  }
0x104: {  	_ =	swait.notdone @!p3 [sflag:s12]  }
0x105: {  	s12 =	rddreg [dreg:$0xa]  }
0x106: {  	[tilespmem:s4], [sflag:$0x2] =	stream.linear.gather [hbm4b:s12+s2], $0x8000, $0x38;
	[tilespmem:$0x10000] =	vst v63  }
0x107: {  	_ =	swait.ge [sflag:s7], $0x8000  }
0x108: {  	[sflag:s7] =	ssyncset.done $0x0  }
0x109: {  	s28 =	rddreg [dreg:$0xb];
	[sflag:s7] =	ssyncadd.s32 $0xFFFF8000  }
0x10a: {  	[hbm4b:s28+s2] =	stream.linear.scatter [tilespmem:s2], [sflag:$0x3], $0x8000, $0x38;
	[tilespmem:$0x10000] =	vst v63  }
0x10b: {  	_ =	swait.ge [sflag:s3], $0x8000  }
0x10c: {  	s12 =	sld [smem:$0x7FF];
	_ =	sdelay $0x2  }
0x10d: {  	p3 =	sne.s32 @!p0 s12, $0x1  }
0x10e: {  	[sflag:s3] =	ssyncset.done $0x0;
	p3 =	por !p3, p0  }
0x10f: {  	[sflag:s3] =	ssyncadd.s32 $0xFFFF8000;
	s12 =	sor.u32 @!p3 $0x100000, s8  }
0x110: {  	[smem:s12], [sflag:$0x0] =	smem.add.s32 @!p3 $0xC5;
	s12 =	simm.s32 @!p3 $0x0  }
0x111: {  	s13 =	simm.s32 @!p3 $0x1;
	_ =	swait.done @!p3 [sflag:s12]  }
0x112: {  	[smem:$0x7FF] =	sst @!p3 s13  }
0x113: {  	_ =	sint @!p3 $0x2  }
0x114: {  	_ =	swait.notdone @!p3 [sflag:s12]  }
0x115: {  	s12 =	rddreg [dreg:$0xc]  }
0x116: {  	[tilespmem:s2], [sflag:$0x1] =	stream.linear.gather [hbm4b:s12+s2], $0x8000, $0x38;
	[tilespmem:$0x10000] =	vst v63  }
0x117: {  	_ =	swait.ge [sflag:s6], $0x8000  }
0x118: {  	[sflag:s6] =	ssyncset.done $0x0  }
0x119: {  	s29 =	rddreg [dreg:$0xd];
	[sflag:s6] =	ssyncadd.s32 $0xFFFF8000  }
0x11a: {  	[hbm4b:s29+s2] =	stream.linear.scatter [tilespmem:s4], [sflag:$0x4], $0x8000, $0x38;
	[tilespmem:$0x10000] =	vst v63  }
0x11b: {  	_ =	swait.ge [sflag:s5], $0x8000  }
0x11c: {  	s12 =	sld [smem:$0x7FF];
	_ =	sdelay $0x2  }
0x11d: {  	p3 =	sne.s32 @!p0 s12, $0x1  }
0x11e: {  	[sflag:s5] =	ssyncset.done $0x0;
	p3 =	por !p3, p0  }
0x11f: {  	[sflag:s5] =	ssyncadd.s32 $0xFFFF8000;
	s12 =	sor.u32 @!p3 $0x100000, s8  }
0x120: {  	[smem:s12], [sflag:$0x0] =	smem.add.s32 @!p3 $0xCD;
	s12 =	simm.s32 @!p3 $0x0  }
0x121: {  	s13 =	simm.s32 @!p3 $0x1;
	_ =	swait.done @!p3 [sflag:s12]  }
0x122: {  	[smem:$0x7FF] =	sst @!p3 s13  }
0x123: {  	_ =	sint @!p3 $0x2  }
0x124: {  	_ =	swait.notdone @!p3 [sflag:s12]  }
0x125: {  	s12 =	rddreg [dreg:$0xe]  }
0x126: {  	[tilespmem:s4], [sflag:$0x2] =	stream.linear.gather [hbm4b:s12+s2], $0x8000, $0x38;
	[tilespmem:$0x10000] =	vst v63  }
0x127: {  	_ =	swait.ge [sflag:s7], $0x8000  }
0x128: {  	[sflag:s7] =	ssyncset.done $0x0  }
0x129: {  	s30 =	rddreg [dreg:$0xf];
	[sflag:s7] =	ssyncadd.s32 $0xFFFF8000  }
0x12a: {  	[hbm4b:s30+s2] =	stream.linear.scatter [tilespmem:s2], [sflag:$0x3], $0x8000, $0x38;
	[tilespmem:$0x10000] =	vst v63  }
0x12b: {  	_ =	swait.ge [sflag:s6], $0x8000  }
0x12c: {  	s11 =	sadd.s32 $0xFFFFFFFF, s11;
	[sflag:s6] =	ssyncset.done $0x0  }
0x12d: {  	p2 =	sne.s32 s11, $0x0;
	s31 =	rddreg [dreg:$0x10];
	[sflag:s6] =	ssyncadd.s32 $0xFFFF8000  }
0x12e: {  	[hbm4b:s31+s2] =	stream.linear.scatter [tilespmem:s4], [sflag:$0x4], $0x8000, $0x38;
	[tilespmem:$0x10000] =	vst v63  }
.Ltmp3:
0x12f: {  	s12 =	sld [smem:$0x7FF];
	_ =	swait.ge [sflag:s3], $0x8000;
	(pc) =	sbr.rel @p2 .LBB2_3-.Ltmp3, $4  }
0x130: {  	[sflag:s3] =	ssyncset.done $0x0  }
0x131: {  	[sflag:s3] =	ssyncadd.s32 $0xFFFF8000  }
0x132: {  	p3 =	sne.s32 @!p0 s12, $0x1;
	_ =	swait.ge [sflag:s5], $0x8000  }
0x133: {  	p3 =	por !p3, p0;
	[sflag:s5] =	ssyncset.done $0x0  }
.LBB2_4:
0x134: {  	s11 =	sor.u32 @!p3 $0x100000, s8;
	[sflag:s5] =	ssyncadd.s32 @p1 $0xFFFF8000  }
0x135: {  	[smem:s11], [sflag:$0x0] =	smem.add.s32 @!p3 $0x9B;
	s11 =	simm.s32 @!p3 $0x0  }
0x136: {  	s12 =	simm.s32 @!p3 $0x1;
	_ =	swait.done @!p3 [sflag:s11]  }
0x137: {  	[smem:$0x7FF] =	sst @!p3 s12  }
0x138: {  	_ =	sint @!p3 $0x2  }
0x139: {  	_ =	swait.notdone @!p3 [sflag:s11]  }
0x13a: {  	s11 =	sld [smem:$0x7FF];
	_ =	sdelay $0x1  }
0x13b: {  	[tilespmem:s2], [sflag:$0x1] =	stream.linear.gather [hbm4b:s10+s2], $0x8000, $0x38;
	[tilespmem:$0x10000] =	vst v63  }
0x13c: {  	p1 =	sne.s32 @!p0 s11, $0x1  }
0x13d: {  	p1 =	por !p1, p0  }
0x13e: {  	s10 =	sor.u32 @!p1 $0x100000, s8  }
0x13f: {  	[smem:s10], [sflag:$0x0] =	smem.add.s32 @!p1 $0x9D;
	s10 =	simm.s32 @!p1 $0x0  }
0x140: {  	s11 =	simm.s32 @!p1 $0x1;
	_ =	swait.done @!p1 [sflag:s10]  }
0x141: {  	[smem:$0x7FF] =	sst @!p1 s11  }
0x142: {  	_ =	sint @!p1 $0x2  }
0x143: {  	_ =	swait.notdone @!p1 [sflag:s10]  }
0x144: {  	s10 =	rddreg [dreg:$0x3]  }
0x145: {  	[tilespmem:s4], [sflag:$0x2] =	stream.linear.gather [hbm4b:s10+s2], $0x8000, $0x38;
	[tilespmem:$0x10000] =	vst v63  }
0x146: {  	_ =	swait.ge [sflag:s7], $0x8000  }
0x147: {  	[sflag:s7] =	ssyncset.done $0x0  }
0x148: {  	[sflag:s7] =	ssyncadd.s32 $0xFFFF8000  }
0x149: {  	[hbm4b:s9+s2] =	stream.linear.scatter [tilespmem:s2], [sflag:$0x3], $0x8000, $0x38;
	[tilespmem:$0x10000] =	vst v63  }
0x14a: {  	_ =	swait.ge [sflag:s3], $0x8000  }
0x14b: {  	s9 =	sld [smem:$0x7FF];
	_ =	sdelay $0x2  }
0x14c: {  	p1 =	sne.s32 @!p0 s9, $0x1  }
0x14d: {  	[sflag:s3] =	ssyncset.done $0x0;
	p1 =	por !p1, p0  }
0x14e: {  	[sflag:s3] =	ssyncadd.s32 $0xFFFF8000;
	s9 =	sor.u32 @!p1 $0x100000, s8  }
0x14f: {  	[smem:s9], [sflag:$0x0] =	smem.add.s32 @!p1 $0xA5;
	s9 =	simm.s32 @!p1 $0x0  }
0x150: {  	s10 =	simm.s32 @!p1 $0x1;
	_ =	swait.done @!p1 [sflag:s9]  }
0x151: {  	[smem:$0x7FF] =	sst @!p1 s10  }
0x152: {  	_ =	sint @!p1 $0x2  }
0x153: {  	_ =	swait.notdone @!p1 [sflag:s9]  }
0x154: {  	s9 =	rddreg [dreg:$0x4]  }
0x155: {  	[tilespmem:s2], [sflag:$0x1] =	stream.linear.gather [hbm4b:s9+s2], $0x8000, $0x38;
	[tilespmem:$0x10000] =	vst v63  }
0x156: {  	_ =	swait.ge [sflag:s6], $0x8000  }
0x157: {  	[sflag:s6] =	ssyncset.done $0x0  }
0x158: {  	s24 =	rddreg [dreg:$0x5];
	[sflag:s6] =	ssyncadd.s32 $0xFFFF8000  }
0x159: {  	[hbm4b:s24+s2] =	stream.linear.scatter [tilespmem:s4], [sflag:$0x4], $0x8000, $0x38;
	[tilespmem:$0x10000] =	vst v63  }
0x15a: {  	_ =	swait.ge [sflag:s5], $0x8000  }
0x15b: {  	s9 =	sld [smem:$0x7FF];
	_ =	sdelay $0x2  }
0x15c: {  	p1 =	sne.s32 @!p0 s9, $0x1  }
0x15d: {  	[sflag:s5] =	ssyncset.done $0x0;
	p1 =	por !p1, p0  }
0x15e: {  	[sflag:s5] =	ssyncadd.s32 $0xFFFF8000;
	s9 =	sor.u32 @!p1 $0x100000, s8  }
0x15f: {  	[smem:s9], [sflag:$0x0] =	smem.add.s32 @!p1 $0xAD;
	s9 =	simm.s32 @!p1 $0x0  }
0x160: {  	s10 =	simm.s32 @!p1 $0x1;
	_ =	swait.done @!p1 [sflag:s9]  }
0x161: {  	[smem:$0x7FF] =	sst @!p1 s10  }
0x162: {  	_ =	sint @!p1 $0x2  }
0x163: {  	_ =	swait.notdone @!p1 [sflag:s9]  }
0x164: {  	s9 =	rddreg [dreg:$0x6]  }
0x165: {  	[tilespmem:s4], [sflag:$0x2] =	stream.linear.gather [hbm4b:s9+s2], $0x8000, $0x38;
	[tilespmem:$0x10000] =	vst v63  }
0x166: {  	_ =	swait.ge [sflag:s7], $0x8000  }
0x167: {  	[sflag:s7] =	ssyncset.done $0x0  }
0x168: {  	s25 =	rddreg [dreg:$0x7];
	[sflag:s7] =	ssyncadd.s32 $0xFFFF8000  }
0x169: {  	[hbm4b:s25+s2] =	stream.linear.scatter [tilespmem:s2], [sflag:$0x3], $0x8000, $0x38;
	[tilespmem:$0x10000] =	vst v63  }
0x16a: {  	_ =	swait.ge [sflag:s3], $0x8000  }
0x16b: {  	s9 =	sld [smem:$0x7FF];
	_ =	sdelay $0x2  }
0x16c: {  	p1 =	sne.s32 @!p0 s9, $0x1  }
0x16d: {  	[sflag:s3] =	ssyncset.done $0x0;
	p1 =	por !p1, p0  }
0x16e: {  	[sflag:s3] =	ssyncadd.s32 $0xFFFF8000;
	s9 =	sor.u32 @!p1 $0x100000, s8  }
0x16f: {  	[smem:s9], [sflag:$0x0] =	smem.add.s32 @!p1 $0xB5;
	s9 =	simm.s32 @!p1 $0x0  }
0x170: {  	s10 =	simm.s32 @!p1 $0x1;
	_ =	swait.done @!p1 [sflag:s9]  }
0x171: {  	[smem:$0x7FF] =	sst @!p1 s10  }
0x172: {  	_ =	sint @!p1 $0x2  }
0x173: {  	_ =	swait.notdone @!p1 [sflag:s9]  }
0x174: {  	s9 =	rddreg [dreg:$0x8]  }
0x175: {  	[tilespmem:s2], [sflag:$0x1] =	stream.linear.gather [hbm4b:s9+s2], $0x8000, $0x38;
	[tilespmem:$0x10000] =	vst v63  }
0x176: {  	_ =	swait.ge [sflag:s6], $0x8000  }
0x177: {  	[sflag:s6] =	ssyncset.done $0x0  }
0x178: {  	s26 =	rddreg [dreg:$0x9];
	[sflag:s6] =	ssyncadd.s32 $0xFFFF8000  }
0x179: {  	[hbm4b:s26+s2] =	stream.linear.scatter [tilespmem:s4], [sflag:$0x4], $0x8000, $0x38;
	[tilespmem:$0x10000] =	vst v63  }
0x17a: {  	_ =	swait.ge [sflag:s5], $0x8000  }
0x17b: {  	s9 =	sld [smem:$0x7FF];
	_ =	sdelay $0x2  }
0x17c: {  	p1 =	sne.s32 @!p0 s9, $0x1  }
0x17d: {  	[sflag:s5] =	ssyncset.done $0x0;
	p1 =	por !p1, p0  }
0x17e: {  	[sflag:s5] =	ssyncadd.s32 $0xFFFF8000;
	s9 =	sor.u32 @!p1 $0x100000, s8  }
0x17f: {  	[smem:s9], [sflag:$0x0] =	smem.add.s32 @!p1 $0xBD;
	s9 =	simm.s32 @!p1 $0x0  }
0x180: {  	s10 =	simm.s32 @!p1 $0x1;
	_ =	swait.done @!p1 [sflag:s9]  }
0x181: {  	[smem:$0x7FF] =	sst @!p1 s10  }
0x182: {  	_ =	sint @!p1 $0x2  }
0x183: {  	_ =	swait.notdone @!p1 [sflag:s9]  }
0x184: {  	s9 =	rddreg [dreg:$0xa]  }
0x185: {  	[tilespmem:s4], [sflag:$0x2] =	stream.linear.gather [hbm4b:s9+s2], $0x8000, $0x38;
	[tilespmem:$0x10000] =	vst v63  }
0x186: {  	_ =	swait.ge [sflag:s7], $0x8000  }
0x187: {  	[sflag:s7] =	ssyncset.done $0x0  }
0x188: {  	s28 =	rddreg [dreg:$0xb];
	[sflag:s7] =	ssyncadd.s32 $0xFFFF8000  }
0x189: {  	[hbm4b:s28+s2] =	stream.linear.scatter [tilespmem:s2], [sflag:$0x3], $0x8000, $0x38;
	[tilespmem:$0x10000] =	vst v63  }
0x18a: {  	_ =	swait.ge [sflag:s3], $0x8000  }
0x18b: {  	s9 =	sld [smem:$0x7FF];
	_ =	sdelay $0x2  }
0x18c: {  	p1 =	sne.s32 @!p0 s9, $0x1  }
0x18d: {  	[sflag:s3] =	ssyncset.done $0x0;
	p1 =	por !p1, p0  }
0x18e: {  	[sflag:s3] =	ssyncadd.s32 $0xFFFF8000;
	s9 =	sor.u32 @!p1 $0x100000, s8  }
0x18f: {  	[smem:s9], [sflag:$0x0] =	smem.add.s32 @!p1 $0xC5;
	s9 =	simm.s32 @!p1 $0x0  }
0x190: {  	s10 =	simm.s32 @!p1 $0x1;
	_ =	swait.done @!p1 [sflag:s9]  }
0x191: {  	[smem:$0x7FF] =	sst @!p1 s10  }
0x192: {  	_ =	sint @!p1 $0x2  }
0x193: {  	_ =	swait.notdone @!p1 [sflag:s9]  }
0x194: {  	s9 =	rddreg [dreg:$0xc]  }
0x195: {  	[tilespmem:s2], [sflag:$0x1] =	stream.linear.gather [hbm4b:s9+s2], $0x8000, $0x38;
	[tilespmem:$0x10000] =	vst v63  }
0x196: {  	_ =	swait.ge [sflag:s6], $0x8000  }
0x197: {  	[sflag:s6] =	ssyncset.done $0x0  }
0x198: {  	s29 =	rddreg [dreg:$0xd];
	[sflag:s6] =	ssyncadd.s32 $0xFFFF8000  }
0x199: {  	[hbm4b:s29+s2] =	stream.linear.scatter [tilespmem:s4], [sflag:$0x4], $0x8000, $0x38;
	[tilespmem:$0x10000] =	vst v63  }
0x19a: {  	_ =	swait.ge [sflag:s5], $0x8000  }
0x19b: {  	s9 =	sld [smem:$0x7FF];
	_ =	sdelay $0x2  }
0x19c: {  	p1 =	sne.s32 @!p0 s9, $0x1  }
0x19d: {  	[sflag:s5] =	ssyncset.done $0x0;
	p0 =	por !p1, p0  }
0x19e: {  	[sflag:s5] =	ssyncadd.s32 $0xFFFF8000;
	s8 =	sor.u32 @!p0 $0x100000, s8  }
0x19f: {  	[smem:s8], [sflag:$0x0] =	smem.add.s32 @!p0 $0xCD;
	s8 =	simm.s32 @!p0 $0x0  }
0x1a0: {  	s9 =	simm.s32 @!p0 $0x1;
	_ =	swait.done @!p0 [sflag:s8]  }
0x1a1: {  	[smem:$0x7FF] =	sst @!p0 s9  }
0x1a2: {  	_ =	sint @!p0 $0x2  }
0x1a3: {  	_ =	swait.notdone @!p0 [sflag:s8]  }
0x1a4: {  	s8 =	rddreg [dreg:$0xe]  }
0x1a5: {  	[tilespmem:s4], [sflag:$0x2] =	stream.linear.gather [hbm4b:s8+s2], $0x8000, $0x38;
	[tilespmem:$0x10000] =	vst v63  }
0x1a6: {  	_ =	swait.ge [sflag:s7], $0x8000  }
0x1a7: {  	[sflag:s7] =	ssyncset.done $0x0  }
0x1a8: {  	s30 =	rddreg [dreg:$0xf];
	[sflag:s7] =	ssyncadd.s32 $0xFFFF8000  }
0x1a9: {  	[hbm4b:s30+s2] =	stream.linear.scatter [tilespmem:s2], [sflag:$0x3], $0x8000, $0x38;
	[tilespmem:$0x10000] =	vst v63  }
0x1aa: {  	_ =	swait.ge [sflag:s6], $0x8000  }
0x1ab: {  	[sflag:s6] =	ssyncset.done $0x0  }
0x1ac: {  	s31 =	rddreg [dreg:$0x10];
	[sflag:s6] =	ssyncadd.s32 $0xFFFF8000  }
0x1ad: {  	[hbm4b:s31+s2] =	stream.linear.scatter [tilespmem:s4], [sflag:$0x4], $0x8000, $0x38;
	[tilespmem:$0x10000] =	vst v63  }
0x1ae: {  	_ =	swait.ge [sflag:s3], $0x8000  }
0x1af: {  	[sflag:s3] =	ssyncset.done $0x0  }
0x1b0: {  	[sflag:s3] =	ssyncadd.s32 $0xFFFF8000  }
0x1b1: {  	_ =	swait.ge [sflag:s5], $0x8000  }
0x1b2: {  	[sflag:s5] =	ssyncset.done $0x0  }
0x1b3: {  	[sflag:s5] =	ssyncadd.s32 $0xFFFF8000  }
.LBB2_5:
0x1b4: {  	_ =	sfence.sel $0x180000  }
0x1b5: {  	[bflag:$0x0] =	sbarrier.arrive $0xFFFF  }
0x1b6: {  	p0 =	sne.s32 s1, $0x0;
	_ =	strace $0x90000047  }
0x1b7: {  	s0 =	sadd.s32 @!p0 $0x100000, s0;
	[bflag:$0x2] =	sbarrier.arrive $0xFFFF  }
0x1b8: {  	[sflag:s0] =	ssyncadd.tile.s32 @!p0 $0x1;
	_ =	shalt  }
.Lfunc_end2:
_tile_overlayer_lowered:
.L_overlay_start_2:
0x1b9: {  	(tag) =	ssettag $0x2  }
0x1ba: {  	s0 =	rddreg [dreg:$0x0];
	s2 =	stileid.u32  }
0x1bb: {  	s1 =	rddreg [dreg:$0x1];
	p0 =	sne.s32 s2, $0x0  }
0x1bc: {  	s3 =	rddreg [dreg:$0x2];
	[bflag:$0x3] =	sbarrier.arrive $0xFFFF;
	s2 =	simm.s32 @!p0 $0x1C05  }
0x1bd: {  	[timem:s3], [sflag:s2] =	dma.local @!p0 [hbm:s0], s1  }
0x1be: {  	s0 =	simm.s32 @!p0 $0x5  }
0x1bf: {  	_ =	swait.ge @!p0 [sflag:s0], s1  }
0x1c0: {  	s1 =	ssub.s32 @!p0 $0x0, s1;
	[sflag:s0] =	ssyncset.done @!p0 $0x0  }
0x1c1: {  	[sflag:s0] =	ssyncadd.s32 @!p0 s1  }
0x1c2: {  	[bflag:$0x3] =	sbarrier.arrive $0xFFFF  }
0x1c3: {  	_ =	shalt  }

</sc_bundles>
